<compile_context>
chip_gen: v7x
topology: tpu7x:2x2x1
jax: 0.10.2.dev20260603
libtpu: 0.0.44.dev20260713+nightly
codegen_flags: <defaults>
</compile_context>

<pallas_src>
import functools

import jax
import jax.numpy as jnp
import numpy as np
from jax import lax
from jax.experimental import pallas as pl
from jax.experimental.pallas import tpu as pltpu
from jax.experimental.pallas import tpu_sc as plsc

_NUM_SC_CORES = 2
_NUM_SC_SUBCORES = 16
_SEQ_PAD = 52


def _sc_gather_rows(table_f32, idx128, seq_pad):
    b_total = idx128.shape[0]
    d = table_f32.shape[1]
    group = 128 // d
    n_workers = _NUM_SC_CORES * _NUM_SC_SUBCORES
    b_per_worker = b_total // n_workers
    bchunk = 32
    assert b_per_worker % (2 * bchunk) == 0
    n_chunks = b_per_worker // bchunk
    chunk = bchunk * seq_pad
    qchunk = chunk // group
    out_rows = b_total * seq_pad * d // 128
    mesh = plsc.VectorSubcoreMesh(
        core_axis_name="c",
        subcore_axis_name="s",
        num_cores=_NUM_SC_CORES,
        num_subcores=_NUM_SC_SUBCORES,
    )

    dmap_np = np.zeros((bchunk, 128), np.int32)
    for bb in range(bchunk):
        for j in range(64):
            if j < seq_pad:
                dmap_np[bb, j] = (
                    qchunk * (j % group) + (seq_pad // group) * bb + j // group
                )
            else:
                dmap_np[bb, j] = chunk + (j - seq_pad) % 16
    dmap = jnp.asarray(dmap_np)

    @functools.partial(
        pl.kernel,
        mesh=mesh,
        out_type=jax.ShapeDtypeStruct((out_rows, 128), jnp.float32),
        scratch_types=[
            [pltpu.VMEM((bchunk, 128), jnp.int32) for _ in range(2)],
            [pltpu.VMEM((chunk + 16,), jnp.int32) for _ in range(2)],
            [
                [pltpu.VMEM((qchunk, d), jnp.float32) for _ in range(group)]
                for _ in range(2)
            ],
            pltpu.VMEM((bchunk, 128), jnp.int32),
            pltpu.VMEM_SHARED((table_f32.shape[0], d), jnp.float32),
            [pltpu.SemaphoreType.DMA for _ in range(2)],
            [pltpu.SemaphoreType.DMA for _ in range(2)],
        ],
        compiler_params=pltpu.CompilerParams(
            use_tc_tiling_on_sc=False, needs_layout_passes=False
        ),
    )
    def gather_kernel(
        table_hbm, idx_hbm, dmap_hbm, out_hbm,
        slab_v, idxre_v, rows_vs, dmap_v, table_sh, gsem, wbsem,
    ):
        wid = lax.axis_index("s") * _NUM_SC_CORES + lax.axis_index("c")
        b_base = wid * b_per_worker
        piece_base = b_base * seq_pad

        @pl.when(lax.axis_index("s") == 0)
        def _():
            pltpu.sync_copy(table_hbm, table_sh)

        pltpu.sync_copy(dmap_hbm, dmap_v)
        plsc.subcore_barrier()

        def gather_descs(c, b):
            return [
                pltpu.make_async_copy(
                    table_sh.at[idxre_v[b].at[pl.ds(p * qchunk, qchunk)]],
                    rows_vs[b][p],
                    gsem[b],
                )
                for p in range(group)
            ]

        def wb_descs(c, b):
            row0 = (piece_base + c * chunk) * d // 128
            return [
                pltpu.make_async_copy(
                    rows_vs[b][p],
                    out_hbm.at[pl.ds(row0, qchunk), pl.ds(p * d, d)],
                    wbsem[b],
                )
                for p in range(group)
            ]

        def load_and_gather(c, b):
            pltpu.sync_copy(
                idx_hbm.at[pl.ds(b_base + c * bchunk, bchunk)], slab_v[b]
            )

            @pl.loop(0, bchunk)
            def _(bb):
                for cc in range(4):
                    vals = slab_v[b][bb, pl.ds(cc * 16, 16)]
                    dsts = dmap_v[bb, pl.ds(cc * 16, 16)]
                    plsc.store_scatter(idxre_v[b], [dsts], vals)

            for desc in gather_descs(c, b):
                desc.start()

        def finish_chunk(c, b):
            for desc in gather_descs(c, b):
                desc.wait()
            for desc in wb_descs(c, b):
                desc.start()

        for b in range(2):
            load_and_gather(b, b)
            finish_chunk(b, b)

        @pl.loop(2, n_chunks, step=2)
        def _(j):
            for b in range(2):
                c = j + b
                for desc in wb_descs(c - 2, b):
                    desc.wait()
                load_and_gather(c, b)
                finish_chunk(c, b)

        for b in range(2):
            for desc in wb_descs(n_chunks - 2 + b, b):
                desc.wait()

    return gather_kernel(table_f32, idx128, dmap)


def _tc_mlp(x_lin, w1_bf16, b1, w2, b2, n):
    k = w1_bf16.shape[0]
    hid = w1_bf16.shape[1]
    out = w2.shape[1]
    tile = 1024
    xrows = tile * k // 128

    def body(x_ref, w1_ref, b1_ref, w2_ref, b2_ref, o_ref):
        x = x_ref[...].reshape(tile, k).astype(jnp.bfloat16)
        h = jnp.dot(x, w1_ref[...], preferred_element_type=jnp.float32)
        h = jnp.maximum(h + b1_ref[...], 0.0)
        logits = jnp.dot(h, w2_ref[...], preferred_element_type=jnp.float32)
        logits = logits + b2_ref[...]
        m = jnp.max(logits, axis=-1, keepdims=True)
        e = jnp.exp(logits - m)
        o_ref[...] = e / jnp.sum(e, axis=-1, keepdims=True)

    return pl.pallas_call(
        body,
        grid=(n // tile,),
        in_specs=[
            pl.BlockSpec((xrows, 128), lambda i: (i, 0)),
            pl.BlockSpec((k, hid), lambda i: (0, 0)),
            pl.BlockSpec((1, hid), lambda i: (0, 0)),
            pl.BlockSpec((hid, out), lambda i: (0, 0)),
            pl.BlockSpec((1, out), lambda i: (0, 0)),
        ],
        out_specs=pl.BlockSpec((tile, out), lambda i: (i, 0)),
        out_shape=jax.ShapeDtypeStruct((n, out), jnp.float32),
        compiler_params=pltpu.CompilerParams(
            dimension_semantics=("arbitrary",),
        ),
    )(x_lin, w1_bf16, b1.reshape(1, hid), w2, b2.reshape(1, out))


def kernel(inputs, emb, W1, b1, W2, b2):
    b, seq = inputs.shape
    v, e = emb.shape
    hid = W1.shape[1]
    table = jnp.concatenate([emb, jnp.zeros((16, e), emb.dtype)], axis=0)
    pad_vals = jnp.broadcast_to(
        v + (jnp.arange(128 - seq, dtype=jnp.int32) % 16), (b, 128 - seq)
    )
    idx128 = jnp.concatenate([inputs, pad_vals], axis=1)
    x_lin = _sc_gather_rows(table, idx128, _SEQ_PAD)
    w1p = jnp.concatenate(
        [W1, jnp.zeros(((_SEQ_PAD - seq) * e, hid), W1.dtype)], axis=0
    ).astype(jnp.bfloat16)
    return _tc_mlp(x_lin, w1p, b1, W2, b2, b)

# --- scband reference (transcript-rebuilt; emitter-appended) ---
"""Pipeline reference for scband-mlpic-8950711845954 (READ-ONLY COPY).

The authoritative reference and input builder live on the scoring server;
editing this copy changes nothing except your own understanding.
"""

import jax, jax.numpy as jnp
import numpy as np

B = 16384
SEQ = 50
VOCAB = 2000
EMB = 32
HID = 256
OUT = 10

def setup_inputs(seed: int = 0) -> dict:
    key = jax.random.key(seed)
    k_idx, k_emb, k_w1, k_w2 = jax.random.split(key, 4)
    inputs = jax.random.randint(k_idx, (B, SEQ), 0, VOCAB, dtype=jnp.int64 if jax.config.jax_enable_x64 else jnp.int32).astype(jnp.int32)
    emb = jax.random.normal(k_emb, (VOCAB, EMB), dtype=jnp.float32) * 0.05
    W1 = jax.random.normal(k_w1, (SEQ * EMB, HID), dtype=jnp.float32) * (1.0 / np.sqrt(SEQ * EMB))
    b1 = jnp.zeros((HID,), dtype=jnp.float32)
    W2 = jax.random.normal(k_w2, (HID, OUT), dtype=jnp.float32) * (1.0 / np.sqrt(HID))
    b2 = jnp.zeros((OUT,), dtype=jnp.float32)
    return {"inputs": inputs, "emb": emb, "W1": W1, "b1": b1, "W2": W2, "b2": b2}

def reference(inputs, emb, W1, b1, W2, b2):
    # Embedding lookup: [B, SEQ] -> [B, SEQ, EMB]
    x = jnp.take(emb, inputs, axis=0)
    # Dropout(0.2) is identity at inference
    # Flatten
    x = x.reshape(x.shape[0], -1)
    # Dense(256, relu)
    x = jax.nn.relu(x @ W1 + b1)
    # Dropout(0.25) is identity at inference
    # Dense(10, softmax)
    x = jax.nn.softmax(x @ W2 + b2, axis=-1)
    return x

if __name__ == "__main__":
    import jax
    _d = setup_inputs()
    print(jax.jit(kernel)(*tuple(_d.values())))

</pallas_src>

<mosaic_0001>
#map = affine_map<(d0, d1) -> (0, 0)>
module attributes {stable_mosaic.version = 14 : i64} {
  func.func @gather_kernel(%arg0: i32, %arg1: i32, %arg2: memref<2016x32xf32, #tpu.memory_space<hbm>>, %arg3: memref<16384x128xi32, #tpu.memory_space<hbm>>, %arg4: memref<32x128xi32, #tpu.memory_space<hbm>>, %arg5: memref<212992x128xf32, #tpu.memory_space<hbm>>, %arg6: memref<32x128xi32, #tpu.memory_space<vmem>>, %arg7: memref<32x128xi32, #tpu.memory_space<vmem>>, %arg8: memref<1680xi32, #tpu.memory_space<vmem>>, %arg9: memref<1680xi32, #tpu.memory_space<vmem>>, %arg10: memref<416x32xf32, #tpu.memory_space<vmem>>, %arg11: memref<416x32xf32, #tpu.memory_space<vmem>>, %arg12: memref<416x32xf32, #tpu.memory_space<vmem>>, %arg13: memref<416x32xf32, #tpu.memory_space<vmem>>, %arg14: memref<416x32xf32, #tpu.memory_space<vmem>>, %arg15: memref<416x32xf32, #tpu.memory_space<vmem>>, %arg16: memref<416x32xf32, #tpu.memory_space<vmem>>, %arg17: memref<416x32xf32, #tpu.memory_space<vmem>>, %arg18: memref<32x128xi32, #tpu.memory_space<vmem>>, %arg19: memref<2016x32xf32, #tpu.memory_space<vmem_shared>>, %arg20: memref<!tpu.dma_semaphore, #tpu.memory_space<semaphore_mem>>, %arg21: memref<!tpu.dma_semaphore, #tpu.memory_space<semaphore_mem>>, %arg22: memref<!tpu.dma_semaphore, #tpu.memory_space<semaphore_mem>>, %arg23: memref<!tpu.dma_semaphore, #tpu.memory_space<semaphore_mem>>) attributes {dimension_semantics = [#tpu.dimension_semantics<core_parallel>, #tpu.dimension_semantics<subcore_parallel>], iteration_bounds = array<i64: 2, 16>, scalar_prefetch = 0 : i64, scratch_operands = 18 : i64, tpu.core_type = #tpu.core_type<sc_vector_subcore>, window_params = [{transform_indices = #map}, {transform_indices = #map}, {transform_indices = #map}, {transform_indices = #map}]} {
    %mul3A = arith.constant 2 : i32
    %mul3A_0 = arith.muli %arg1, %mul3A : i32
    %add3A = arith.addi %mul3A_0, %arg0 : i32
    %mul3A_1 = arith.constant 512 : i32
    %mul3A_2 = arith.muli %add3A, %mul3A_1 : i32
    %mul3A_3 = arith.constant 52 : i32
    %mul3A_4 = arith.muli %mul3A_2, %mul3A_3 : i32
    %eq3A = arith.constant 0 : i32
    %eq3A_5 = arith.cmpi eq, %arg1, %eq3A : i32
    %convert_element_type3A = arith.extui %eq3A_5 : i1 to i32
    %cond3A = arith.constant 0 : i32
    %cond3A_6 = arith.cmpi ne, %convert_element_type3A, %cond3A : i32
    scf.if %cond3A_6 {
      "tpu.region"() ({
        %run_scoped3A = tpu.sem_alloc : memref<!tpu.dma_semaphore, #tpu.memory_space<semaphore_mem>>
        tpu.enqueue_dma source(%arg2 : memref<2016x32xf32, #tpu.memory_space<hbm>>) target(%arg19 : memref<2016x32xf32, #tpu.memory_space<vmem_shared>>) target_semaphore(%run_scoped3A : memref<!tpu.dma_semaphore, #tpu.memory_space<semaphore_mem>>)
        tpu.wait_dma2 semaphore(%run_scoped3A : memref<!tpu.dma_semaphore, #tpu.memory_space<semaphore_mem>>) src(%arg2 : memref<2016x32xf32, #tpu.memory_space<hbm>>) dst(%arg19 : memref<2016x32xf32, #tpu.memory_space<vmem_shared>>)
        tpu.yield
      }) : () -> ()
    } else {
    }
    "tpu.region"() ({
      %run_scoped3A = tpu.sem_alloc : memref<!tpu.dma_semaphore, #tpu.memory_space<semaphore_mem>>
      tpu.enqueue_dma source(%arg4 : memref<32x128xi32, #tpu.memory_space<hbm>>) target(%arg18 : memref<32x128xi32, #tpu.memory_space<vmem>>) target_semaphore(%run_scoped3A : memref<!tpu.dma_semaphore, #tpu.memory_space<semaphore_mem>>)
      tpu.wait_dma2 semaphore(%run_scoped3A : memref<!tpu.dma_semaphore, #tpu.memory_space<semaphore_mem>>) src(%arg4 : memref<32x128xi32, #tpu.memory_space<hbm>>) dst(%arg18 : memref<32x128xi32, #tpu.memory_space<vmem>>)
      tpu.yield
    }) : () -> ()
    %barrier3A = arith.constant 0 : index
    tpu.barrier barrier_id(%barrier3A)
    %add3A_7 = arith.constant 0 : i32
    %add3A_8 = arith.addi %mul3A_2, %add3A_7 : i32
    "tpu.region"() ({
      %run_scoped3A = tpu.sem_alloc : memref<!tpu.dma_semaphore, #tpu.memory_space<semaphore_mem>>
      %dma_start3A_271 = arith.constant 0 : i32
      %dma_start3A_272 = tpu.memref_slice %arg3[%add3A_8, %dma_start3A_271] : memref<16384x128xi32, #tpu.memory_space<hbm>> -> memref<32x128xi32, #tpu.memory_space<hbm>>
      %dma_start3A_273 = arith.constant 0 : i32
      %dma_start3A_274 = tpu.memref_slice %arg3[%add3A_8, %dma_start3A_273] : memref<16384x128xi32, #tpu.memory_space<hbm>> -> memref<32x128xi32, #tpu.memory_space<hbm>>
      tpu.enqueue_dma source(%dma_start3A_274 : memref<32x128xi32, #tpu.memory_space<hbm>>) target(%arg6 : memref<32x128xi32, #tpu.memory_space<vmem>>) target_semaphore(%run_scoped3A : memref<!tpu.dma_semaphore, #tpu.memory_space<semaphore_mem>>)
      %dma_wait3A_275 = arith.constant 0 : i32
      %dma_wait3A_276 = tpu.memref_slice %arg3[%add3A_8, %dma_wait3A_275] : memref<16384x128xi32, #tpu.memory_space<hbm>> -> memref<32x128xi32, #tpu.memory_space<hbm>>
      %dma_wait3A_277 = arith.constant 0 : i32
      %dma_wait3A_278 = tpu.memref_slice %arg3[%add3A_8, %dma_wait3A_277] : memref<16384x128xi32, #tpu.memory_space<hbm>> -> memref<32x128xi32, #tpu.memory_space<hbm>>
      tpu.wait_dma2 semaphore(%run_scoped3A : memref<!tpu.dma_semaphore, #tpu.memory_space<semaphore_mem>>) src(%dma_wait3A_278 : memref<32x128xi32, #tpu.memory_space<hbm>>) dst(%arg6 : memref<32x128xi32, #tpu.memory_space<vmem>>)
      tpu.yield
    }) : () -> ()
    %scan3A = arith.constant 0 : i32
    %scan3A_9 = arith.constant 32 : i32
    %scan3A_10 = arith.addi %scan3A, %scan3A_9 : i32
    %scan3A_11 = arith.constant 1 : i32
    scf.for %scan3A_271 = %scan3A to %scan3A_10 step %scan3A_11  : i32 {
      %mul3A_272 = arith.constant 1 : i32
      %mul3A_273 = arith.muli %scan3A_271, %mul3A_272 : i32
      %add3A_274 = arith.constant 0 : i32
      %add3A_275 = arith.addi %add3A_274, %mul3A_273 : i32
      %get3A = arith.index_cast %add3A_275 : i32 to index
      %get3A_276 = arith.constant 0 : index
      %get3A_277 = tpu.vector_load %arg6[%get3A, %get3A_276] {strides = array<i32>} : memref<32x128xi32, #tpu.memory_space<vmem>>, vector<16xi32>,
      %get3A_278 = arith.index_cast %add3A_275 : i32 to index
      %get3A_279 = arith.constant 0 : index
      %get3A_280 = tpu.vector_load %arg18[%get3A_278, %get3A_279] {strides = array<i32>} : memref<32x128xi32, #tpu.memory_space<vmem>>, vector<16xi32>,
      tpu.vector_store_idx %arg8[%get3A_280], %get3A_277 : memref<1680xi32, #tpu.memory_space<vmem>>[vector<16xi32>], vector<16xi32>,
      %get3A_281 = arith.index_cast %add3A_275 : i32 to index
      %get3A_282 = arith.constant 16 : index
      %get3A_283 = tpu.vector_load %arg6[%get3A_281, %get3A_282] {strides = array<i32>} : memref<32x128xi32, #tpu.memory_space<vmem>>, vector<16xi32>,
      %get3A_284 = arith.index_cast %add3A_275 : i32 to index
      %get3A_285 = arith.constant 16 : index
      %get3A_286 = tpu.vector_load %arg18[%get3A_284, %get3A_285] {strides = array<i32>} : memref<32x128xi32, #tpu.memory_space<vmem>>, vector<16xi32>,
      tpu.vector_store_idx %arg8[%get3A_286], %get3A_283 : memref<1680xi32, #tpu.memory_space<vmem>>[vector<16xi32>], vector<16xi32>,
      %get3A_287 = arith.index_cast %add3A_275 : i32 to index
      %get3A_288 = arith.constant 32 : index
      %get3A_289 = tpu.vector_load %arg6[%get3A_287, %get3A_288] {strides = array<i32>} : memref<32x128xi32, #tpu.memory_space<vmem>>, vector<16xi32>,
      %get3A_290 = arith.index_cast %add3A_275 : i32 to index
      %get3A_291 = arith.constant 32 : index
      %get3A_292 = tpu.vector_load %arg18[%get3A_290, %get3A_291] {strides = array<i32>} : memref<32x128xi32, #tpu.memory_space<vmem>>, vector<16xi32>,
      tpu.vector_store_idx %arg8[%get3A_292], %get3A_289 : memref<1680xi32, #tpu.memory_space<vmem>>[vector<16xi32>], vector<16xi32>,
      %get3A_293 = arith.index_cast %add3A_275 : i32 to index
      %get3A_294 = arith.constant 48 : index
      %get3A_295 = tpu.vector_load %arg6[%get3A_293, %get3A_294] {strides = array<i32>} : memref<32x128xi32, #tpu.memory_space<vmem>>, vector<16xi32>,
      %get3A_296 = arith.index_cast %add3A_275 : i32 to index
      %get3A_297 = arith.constant 48 : index
      %get3A_298 = tpu.vector_load %arg18[%get3A_296, %get3A_297] {strides = array<i32>} : memref<32x128xi32, #tpu.memory_space<vmem>>, vector<16xi32>,
      tpu.vector_store_idx %arg8[%get3A_298], %get3A_295 : memref<1680xi32, #tpu.memory_space<vmem>>[vector<16xi32>], vector<16xi32>,
    }
    %scan3A_12 = arith.constant 32 : i32
    %dma_start3A = arith.constant 0 : i32
    %dma_start3A_13 = tpu.memref_slice %arg8[%dma_start3A] : memref<1680xi32, #tpu.memory_space<vmem>> -> memref<416xi32, #tpu.memory_space<vmem>>
    %dma_start3A_14 = arith.constant 0 : i32
    %dma_start3A_15 = arith.constant 0 : i32
    %dma_start3A_16 = tpu.memref_slice %arg19[%dma_start3A_14, %dma_start3A_15] : memref<2016x32xf32, #tpu.memory_space<vmem_shared>> -> memref<2016x32xf32, #tpu.memory_space<vmem_shared>>
    tpu.enqueue_indirect_dma source(%dma_start3A_16 : memref<2016x32xf32, #tpu.memory_space<vmem_shared>>) target(%arg10 : memref<416x32xf32, #tpu.memory_space<vmem>>) offsets(%dma_start3A_13 : memref<416xi32, #tpu.memory_space<vmem>>) semaphore(%arg20 : memref<!tpu.dma_semaphore, #tpu.memory_space<semaphore_mem>>)
    %dma_start3A_17 = arith.constant 416 : i32
    %dma_start3A_18 = tpu.memref_slice %arg8[%dma_start3A_17] : memref<1680xi32, #tpu.memory_space<vmem>> -> memref<416xi32, #tpu.memory_space<vmem>>
    %dma_start3A_19 = arith.constant 0 : i32
    %dma_start3A_20 = arith.constant 0 : i32
    %dma_start3A_21 = tpu.memref_slice %arg19[%dma_start3A_19, %dma_start3A_20] : memref<2016x32xf32, #tpu.memory_space<vmem_shared>> -> memref<2016x32xf32, #tpu.memory_space<vmem_shared>>
    tpu.enqueue_indirect_dma source(%dma_start3A_21 : memref<2016x32xf32, #tpu.memory_space<vmem_shared>>) target(%arg11 : memref<416x32xf32, #tpu.memory_space<vmem>>) offsets(%dma_start3A_18 : memref<416xi32, #tpu.memory_space<vmem>>) semaphore(%arg20 : memref<!tpu.dma_semaphore, #tpu.memory_space<semaphore_mem>>)
    %dma_start3A_22 = arith.constant 832 : i32
    %dma_start3A_23 = tpu.memref_slice %arg8[%dma_start3A_22] : memref<1680xi32, #tpu.memory_space<vmem>> -> memref<416xi32, #tpu.memory_space<vmem>>
    %dma_start3A_24 = arith.constant 0 : i32
    %dma_start3A_25 = arith.constant 0 : i32
    %dma_start3A_26 = tpu.memref_slice %arg19[%dma_start3A_24, %dma_start3A_25] : memref<2016x32xf32, #tpu.memory_space<vmem_shared>> -> memref<2016x32xf32, #tpu.memory_space<vmem_shared>>
    tpu.enqueue_indirect_dma source(%dma_start3A_26 : memref<2016x32xf32, #tpu.memory_space<vmem_shared>>) target(%arg12 : memref<416x32xf32, #tpu.memory_space<vmem>>) offsets(%dma_start3A_23 : memref<416xi32, #tpu.memory_space<vmem>>) semaphore(%arg20 : memref<!tpu.dma_semaphore, #tpu.memory_space<semaphore_mem>>)
    %dma_start3A_27 = arith.constant 1248 : i32
    %dma_start3A_28 = tpu.memref_slice %arg8[%dma_start3A_27] : memref<1680xi32, #tpu.memory_space<vmem>> -> memref<416xi32, #tpu.memory_space<vmem>>
    %dma_start3A_29 = arith.constant 0 : i32
    %dma_start3A_30 = arith.constant 0 : i32
    %dma_start3A_31 = tpu.memref_slice %arg19[%dma_start3A_29, %dma_start3A_30] : memref<2016x32xf32, #tpu.memory_space<vmem_shared>> -> memref<2016x32xf32, #tpu.memory_space<vmem_shared>>
    tpu.enqueue_indirect_dma source(%dma_start3A_31 : memref<2016x32xf32, #tpu.memory_space<vmem_shared>>) target(%arg13 : memref<416x32xf32, #tpu.memory_space<vmem>>) offsets(%dma_start3A_28 : memref<416xi32, #tpu.memory_space<vmem>>) semaphore(%arg20 : memref<!tpu.dma_semaphore, #tpu.memory_space<semaphore_mem>>)
    %dma_wait3A = arith.constant 0 : i32
    %dma_wait3A_32 = tpu.memref_slice %arg8[%dma_wait3A] : memref<1680xi32, #tpu.memory_space<vmem>> -> memref<416xi32, #tpu.memory_space<vmem>>
    %dma_wait3A_33 = arith.constant 0 : i32
    %dma_wait3A_34 = arith.constant 0 : i32
    %dma_wait3A_35 = tpu.memref_slice %arg19[%dma_wait3A_33, %dma_wait3A_34] : memref<2016x32xf32, #tpu.memory_space<vmem_shared>> -> memref<2016x32xf32, #tpu.memory_space<vmem_shared>>
    tpu.wait_indirect_dma semaphore(%arg20 : memref<!tpu.dma_semaphore, #tpu.memory_space<semaphore_mem>>) src(%dma_wait3A_35 : memref<2016x32xf32, #tpu.memory_space<vmem_shared>>) dst(%arg10 : memref<416x32xf32, #tpu.memory_space<vmem>>)
    %dma_wait3A_36 = arith.constant 416 : i32
    %dma_wait3A_37 = tpu.memref_slice %arg8[%dma_wait3A_36] : memref<1680xi32, #tpu.memory_space<vmem>> -> memref<416xi32, #tpu.memory_space<vmem>>
    %dma_wait3A_38 = arith.constant 0 : i32
    %dma_wait3A_39 = arith.constant 0 : i32
    %dma_wait3A_40 = tpu.memref_slice %arg19[%dma_wait3A_38, %dma_wait3A_39] : memref<2016x32xf32, #tpu.memory_space<vmem_shared>> -> memref<2016x32xf32, #tpu.memory_space<vmem_shared>>
    tpu.wait_indirect_dma semaphore(%arg20 : memref<!tpu.dma_semaphore, #tpu.memory_space<semaphore_mem>>) src(%dma_wait3A_40 : memref<2016x32xf32, #tpu.memory_space<vmem_shared>>) dst(%arg11 : memref<416x32xf32, #tpu.memory_space<vmem>>)
    %dma_wait3A_41 = arith.constant 832 : i32
    %dma_wait3A_42 = tpu.memref_slice %arg8[%dma_wait3A_41] : memref<1680xi32, #tpu.memory_space<vmem>> -> memref<416xi32, #tpu.memory_space<vmem>>
    %dma_wait3A_43 = arith.constant 0 : i32
    %dma_wait3A_44 = arith.constant 0 : i32
    %dma_wait3A_45 = tpu.memref_slice %arg19[%dma_wait3A_43, %dma_wait3A_44] : memref<2016x32xf32, #tpu.memory_space<vmem_shared>> -> memref<2016x32xf32, #tpu.memory_space<vmem_shared>>
    tpu.wait_indirect_dma semaphore(%arg20 : memref<!tpu.dma_semaphore, #tpu.memory_space<semaphore_mem>>) src(%dma_wait3A_45 : memref<2016x32xf32, #tpu.memory_space<vmem_shared>>) dst(%arg12 : memref<416x32xf32, #tpu.memory_space<vmem>>)
    %dma_wait3A_46 = arith.constant 1248 : i32
    %dma_wait3A_47 = tpu.memref_slice %arg8[%dma_wait3A_46] : memref<1680xi32, #tpu.memory_space<vmem>> -> memref<416xi32, #tpu.memory_space<vmem>>
    %dma_wait3A_48 = arith.constant 0 : i32
    %dma_wait3A_49 = arith.constant 0 : i32
    %dma_wait3A_50 = tpu.memref_slice %arg19[%dma_wait3A_48, %dma_wait3A_49] : memref<2016x32xf32, #tpu.memory_space<vmem_shared>> -> memref<2016x32xf32, #tpu.memory_space<vmem_shared>>
    tpu.wait_indirect_dma semaphore(%arg20 : memref<!tpu.dma_semaphore, #tpu.memory_space<semaphore_mem>>) src(%dma_wait3A_50 : memref<2016x32xf32, #tpu.memory_space<vmem_shared>>) dst(%arg13 : memref<416x32xf32, #tpu.memory_space<vmem>>)
    %add3A_51 = arith.constant 0 : i32
    %add3A_52 = arith.addi %mul3A_4, %add3A_51 : i32
    %mul3A_53 = arith.constant 32 : i32
    %mul3A_54 = arith.muli %add3A_52, %mul3A_53 : i32
    %jit3A = arith.constant 128 : i32
    %div3A = arith.divsi %mul3A_54, %jit3A : i32
    %sign3A = arith.constant 0 : i32
    %sign3A_55 = arith.cmpi sgt, %mul3A_54, %sign3A : i32
    %sign3A_56 = arith.extui %sign3A_55 : i1 to i32
    %sign3A_57 = arith.constant 0 : i32
    %sign3A_58 = arith.cmpi slt, %mul3A_54, %sign3A_57 : i32
    %sign3A_59 = arith.extui %sign3A_58 : i1 to i32
    %sign3A_60 = arith.subi %sign3A_56, %sign3A_59 : i32
    %sign3A_61 = arith.constant 0 : i32
    %sign3A_62 = arith.cmpi sgt, %jit3A, %sign3A_61 : i32
    %sign3A_63 = arith.extui %sign3A_62 : i1 to i32
    %sign3A_64 = arith.constant 0 : i32
    %sign3A_65 = arith.cmpi slt, %jit3A, %sign3A_64 : i32
    %sign3A_66 = arith.extui %sign3A_65 : i1 to i32
    %sign3A_67 = arith.subi %sign3A_63, %sign3A_66 : i32
    %ne3A = arith.cmpi ne, %sign3A_60, %sign3A_67 : i32
    %rem3A = arith.remsi %mul3A_54, %jit3A : i32
    %ne3A_68 = arith.constant 0 : i32
    %ne3A_69 = arith.cmpi ne, %rem3A, %ne3A_68 : i32
    %and3A = arith.andi %ne3A, %ne3A_69 : i1
    %sub3A = arith.constant 1 : i32
    %sub3A_70 = arith.subi %div3A, %sub3A : i32
    %select_n3A = arith.select %and3A, %sub3A_70, %div3A : i32
    %dma_start3A_71 = arith.constant 0 : i32
    %dma_start3A_72 = tpu.memref_slice %arg5[%select_n3A, %dma_start3A_71] : memref<212992x128xf32, #tpu.memory_space<hbm>> -> memref<416x32xf32, #tpu.memory_space<hbm>>
    %dma_start3A_73 = arith.constant 0 : i32
    %dma_start3A_74 = tpu.memref_slice %arg5[%select_n3A, %dma_start3A_73] : memref<212992x128xf32, #tpu.memory_space<hbm>> -> memref<416x32xf32, #tpu.memory_space<hbm>>
    tpu.enqueue_dma source(%arg10 : memref<416x32xf32, #tpu.memory_space<vmem>>) target(%dma_start3A_74 : memref<416x32xf32, #tpu.memory_space<hbm>>) target_semaphore(%arg22 : memref<!tpu.dma_semaphore, #tpu.memory_space<semaphore_mem>>)
    %dma_start3A_75 = arith.constant 32 : i32
    %dma_start3A_76 = tpu.memref_slice %arg5[%select_n3A, %dma_start3A_75] : memref<212992x128xf32, #tpu.memory_space<hbm>> -> memref<416x32xf32, #tpu.memory_space<hbm>>
    %dma_start3A_77 = arith.constant 32 : i32
    %dma_start3A_78 = tpu.memref_slice %arg5[%select_n3A, %dma_start3A_77] : memref<212992x128xf32, #tpu.memory_space<hbm>> -> memref<416x32xf32, #tpu.memory_space<hbm>>
    tpu.enqueue_dma source(%arg11 : memref<416x32xf32, #tpu.memory_space<vmem>>) target(%dma_start3A_78 : memref<416x32xf32, #tpu.memory_space<hbm>>) target_semaphore(%arg22 : memref<!tpu.dma_semaphore, #tpu.memory_space<semaphore_mem>>)
    %dma_start3A_79 = arith.constant 64 : i32
    %dma_start3A_80 = tpu.memref_slice %arg5[%select_n3A, %dma_start3A_79] : memref<212992x128xf32, #tpu.memory_space<hbm>> -> memref<416x32xf32, #tpu.memory_space<hbm>>
    %dma_start3A_81 = arith.constant 64 : i32
    %dma_start3A_82 = tpu.memref_slice %arg5[%select_n3A, %dma_start3A_81] : memref<212992x128xf32, #tpu.memory_space<hbm>> -> memref<416x32xf32, #tpu.memory_space<hbm>>
    tpu.enqueue_dma source(%arg12 : memref<416x32xf32, #tpu.memory_space<vmem>>) target(%dma_start3A_82 : memref<416x32xf32, #tpu.memory_space<hbm>>) target_semaphore(%arg22 : memref<!tpu.dma_semaphore, #tpu.memory_space<semaphore_mem>>)
    %dma_start3A_83 = arith.constant 96 : i32
    %dma_start3A_84 = tpu.memref_slice %arg5[%select_n3A, %dma_start3A_83] : memref<212992x128xf32, #tpu.memory_space<hbm>> -> memref<416x32xf32, #tpu.memory_space<hbm>>
    %dma_start3A_85 = arith.constant 96 : i32
    %dma_start3A_86 = tpu.memref_slice %arg5[%select_n3A, %dma_start3A_85] : memref<212992x128xf32, #tpu.memory_space<hbm>> -> memref<416x32xf32, #tpu.memory_space<hbm>>
    tpu.enqueue_dma source(%arg13 : memref<416x32xf32, #tpu.memory_space<vmem>>) target(%dma_start3A_86 : memref<416x32xf32, #tpu.memory_space<hbm>>) target_semaphore(%arg22 : memref<!tpu.dma_semaphore, #tpu.memory_space<semaphore_mem>>)
    %add3A_87 = arith.constant 32 : i32
    %add3A_88 = arith.addi %mul3A_2, %add3A_87 : i32
    "tpu.region"() ({
      %run_scoped3A = tpu.sem_alloc : memref<!tpu.dma_semaphore, #tpu.memory_space<semaphore_mem>>
      %dma_start3A_271 = arith.constant 0 : i32
      %dma_start3A_272 = tpu.memref_slice %arg3[%add3A_88, %dma_start3A_271] : memref<16384x128xi32, #tpu.memory_space<hbm>> -> memref<32x128xi32, #tpu.memory_space<hbm>>
      %dma_start3A_273 = arith.constant 0 : i32
      %dma_start3A_274 = tpu.memref_slice %arg3[%add3A_88, %dma_start3A_273] : memref<16384x128xi32, #tpu.memory_space<hbm>> -> memref<32x128xi32, #tpu.memory_space<hbm>>
      tpu.enqueue_dma source(%dma_start3A_274 : memref<32x128xi32, #tpu.memory_space<hbm>>) target(%arg7 : memref<32x128xi32, #tpu.memory_space<vmem>>) target_semaphore(%run_scoped3A : memref<!tpu.dma_semaphore, #tpu.memory_space<semaphore_mem>>)
      %dma_wait3A_275 = arith.constant 0 : i32
      %dma_wait3A_276 = tpu.memref_slice %arg3[%add3A_88, %dma_wait3A_275] : memref<16384x128xi32, #tpu.memory_space<hbm>> -> memref<32x128xi32, #tpu.memory_space<hbm>>
      %dma_wait3A_277 = arith.constant 0 : i32
      %dma_wait3A_278 = tpu.memref_slice %arg3[%add3A_88, %dma_wait3A_277] : memref<16384x128xi32, #tpu.memory_space<hbm>> -> memref<32x128xi32, #tpu.memory_space<hbm>>
      tpu.wait_dma2 semaphore(%run_scoped3A : memref<!tpu.dma_semaphore, #tpu.memory_space<semaphore_mem>>) src(%dma_wait3A_278 : memref<32x128xi32, #tpu.memory_space<hbm>>) dst(%arg7 : memref<32x128xi32, #tpu.memory_space<vmem>>)
      tpu.yield
    }) : () -> ()
    %scan3A_89 = arith.constant 0 : i32
    %scan3A_90 = arith.constant 32 : i32
    %scan3A_91 = arith.addi %scan3A_89, %scan3A_90 : i32
    %scan3A_92 = arith.constant 1 : i32
    scf.for %scan3A_271 = %scan3A_89 to %scan3A_91 step %scan3A_92  : i32 {
      %mul3A_272 = arith.constant 1 : i32
      %mul3A_273 = arith.muli %scan3A_271, %mul3A_272 : i32
      %add3A_274 = arith.constant 0 : i32
      %add3A_275 = arith.addi %add3A_274, %mul3A_273 : i32
      %get3A = arith.index_cast %add3A_275 : i32 to index
      %get3A_276 = arith.constant 0 : index
      %get3A_277 = tpu.vector_load %arg7[%get3A, %get3A_276] {strides = array<i32>} : memref<32x128xi32, #tpu.memory_space<vmem>>, vector<16xi32>,
      %get3A_278 = arith.index_cast %add3A_275 : i32 to index
      %get3A_279 = arith.constant 0 : index
      %get3A_280 = tpu.vector_load %arg18[%get3A_278, %get3A_279] {strides = array<i32>} : memref<32x128xi32, #tpu.memory_space<vmem>>, vector<16xi32>,
      tpu.vector_store_idx %arg9[%get3A_280], %get3A_277 : memref<1680xi32, #tpu.memory_space<vmem>>[vector<16xi32>], vector<16xi32>,
      %get3A_281 = arith.index_cast %add3A_275 : i32 to index
      %get3A_282 = arith.constant 16 : index
      %get3A_283 = tpu.vector_load %arg7[%get3A_281, %get3A_282] {strides = array<i32>} : memref<32x128xi32, #tpu.memory_space<vmem>>, vector<16xi32>,
      %get3A_284 = arith.index_cast %add3A_275 : i32 to index
      %get3A_285 = arith.constant 16 : index
      %get3A_286 = tpu.vector_load %arg18[%get3A_284, %get3A_285] {strides = array<i32>} : memref<32x128xi32, #tpu.memory_space<vmem>>, vector<16xi32>,
      tpu.vector_store_idx %arg9[%get3A_286], %get3A_283 : memref<1680xi32, #tpu.memory_space<vmem>>[vector<16xi32>], vector<16xi32>,
      %get3A_287 = arith.index_cast %add3A_275 : i32 to index
      %get3A_288 = arith.constant 32 : index
      %get3A_289 = tpu.vector_load %arg7[%get3A_287, %get3A_288] {strides = array<i32>} : memref<32x128xi32, #tpu.memory_space<vmem>>, vector<16xi32>,
      %get3A_290 = arith.index_cast %add3A_275 : i32 to index
      %get3A_291 = arith.constant 32 : index
      %get3A_292 = tpu.vector_load %arg18[%get3A_290, %get3A_291] {strides = array<i32>} : memref<32x128xi32, #tpu.memory_space<vmem>>, vector<16xi32>,
      tpu.vector_store_idx %arg9[%get3A_292], %get3A_289 : memref<1680xi32, #tpu.memory_space<vmem>>[vector<16xi32>], vector<16xi32>,
      %get3A_293 = arith.index_cast %add3A_275 : i32 to index
      %get3A_294 = arith.constant 48 : index
      %get3A_295 = tpu.vector_load %arg7[%get3A_293, %get3A_294] {strides = array<i32>} : memref<32x128xi32, #tpu.memory_space<vmem>>, vector<16xi32>,
      %get3A_296 = arith.index_cast %add3A_275 : i32 to index
      %get3A_297 = arith.constant 48 : index
      %get3A_298 = tpu.vector_load %arg18[%get3A_296, %get3A_297] {strides = array<i32>} : memref<32x128xi32, #tpu.memory_space<vmem>>, vector<16xi32>,
      tpu.vector_store_idx %arg9[%get3A_298], %get3A_295 : memref<1680xi32, #tpu.memory_space<vmem>>[vector<16xi32>], vector<16xi32>,
    }
    %scan3A_93 = arith.constant 32 : i32
    %dma_start3A_94 = arith.constant 0 : i32
    %dma_start3A_95 = tpu.memref_slice %arg9[%dma_start3A_94] : memref<1680xi32, #tpu.memory_space<vmem>> -> memref<416xi32, #tpu.memory_space<vmem>>
    %dma_start3A_96 = arith.constant 0 : i32
    %dma_start3A_97 = arith.constant 0 : i32
    %dma_start3A_98 = tpu.memref_slice %arg19[%dma_start3A_96, %dma_start3A_97] : memref<2016x32xf32, #tpu.memory_space<vmem_shared>> -> memref<2016x32xf32, #tpu.memory_space<vmem_shared>>
    tpu.enqueue_indirect_dma source(%dma_start3A_98 : memref<2016x32xf32, #tpu.memory_space<vmem_shared>>) target(%arg14 : memref<416x32xf32, #tpu.memory_space<vmem>>) offsets(%dma_start3A_95 : memref<416xi32, #tpu.memory_space<vmem>>) semaphore(%arg21 : memref<!tpu.dma_semaphore, #tpu.memory_space<semaphore_mem>>)
    %dma_start3A_99 = arith.constant 416 : i32
    %dma_start3A_100 = tpu.memref_slice %arg9[%dma_start3A_99] : memref<1680xi32, #tpu.memory_space<vmem>> -> memref<416xi32, #tpu.memory_space<vmem>>
    %dma_start3A_101 = arith.constant 0 : i32
    %dma_start3A_102 = arith.constant 0 : i32
    %dma_start3A_103 = tpu.memref_slice %arg19[%dma_start3A_101, %dma_start3A_102] : memref<2016x32xf32, #tpu.memory_space<vmem_shared>> -> memref<2016x32xf32, #tpu.memory_space<vmem_shared>>
    tpu.enqueue_indirect_dma source(%dma_start3A_103 : memref<2016x32xf32, #tpu.memory_space<vmem_shared>>) target(%arg15 : memref<416x32xf32, #tpu.memory_space<vmem>>) offsets(%dma_start3A_100 : memref<416xi32, #tpu.memory_space<vmem>>) semaphore(%arg21 : memref<!tpu.dma_semaphore, #tpu.memory_space<semaphore_mem>>)
    %dma_start3A_104 = arith.constant 832 : i32
    %dma_start3A_105 = tpu.memref_slice %arg9[%dma_start3A_104] : memref<1680xi32, #tpu.memory_space<vmem>> -> memref<416xi32, #tpu.memory_space<vmem>>
    %dma_start3A_106 = arith.constant 0 : i32
    %dma_start3A_107 = arith.constant 0 : i32
    %dma_start3A_108 = tpu.memref_slice %arg19[%dma_start3A_106, %dma_start3A_107] : memref<2016x32xf32, #tpu.memory_space<vmem_shared>> -> memref<2016x32xf32, #tpu.memory_space<vmem_shared>>
    tpu.enqueue_indirect_dma source(%dma_start3A_108 : memref<2016x32xf32, #tpu.memory_space<vmem_shared>>) target(%arg16 : memref<416x32xf32, #tpu.memory_space<vmem>>) offsets(%dma_start3A_105 : memref<416xi32, #tpu.memory_space<vmem>>) semaphore(%arg21 : memref<!tpu.dma_semaphore, #tpu.memory_space<semaphore_mem>>)
    %dma_start3A_109 = arith.constant 1248 : i32
    %dma_start3A_110 = tpu.memref_slice %arg9[%dma_start3A_109] : memref<1680xi32, #tpu.memory_space<vmem>> -> memref<416xi32, #tpu.memory_space<vmem>>
    %dma_start3A_111 = arith.constant 0 : i32
    %dma_start3A_112 = arith.constant 0 : i32
    %dma_start3A_113 = tpu.memref_slice %arg19[%dma_start3A_111, %dma_start3A_112] : memref<2016x32xf32, #tpu.memory_space<vmem_shared>> -> memref<2016x32xf32, #tpu.memory_space<vmem_shared>>
    tpu.enqueue_indirect_dma source(%dma_start3A_113 : memref<2016x32xf32, #tpu.memory_space<vmem_shared>>) target(%arg17 : memref<416x32xf32, #tpu.memory_space<vmem>>) offsets(%dma_start3A_110 : memref<416xi32, #tpu.memory_space<vmem>>) semaphore(%arg21 : memref<!tpu.dma_semaphore, #tpu.memory_space<semaphore_mem>>)
    %dma_wait3A_114 = arith.constant 0 : i32
    %dma_wait3A_115 = tpu.memref_slice %arg9[%dma_wait3A_114] : memref<1680xi32, #tpu.memory_space<vmem>> -> memref<416xi32, #tpu.memory_space<vmem>>
    %dma_wait3A_116 = arith.constant 0 : i32
    %dma_wait3A_117 = arith.constant 0 : i32
    %dma_wait3A_118 = tpu.memref_slice %arg19[%dma_wait3A_116, %dma_wait3A_117] : memref<2016x32xf32, #tpu.memory_space<vmem_shared>> -> memref<2016x32xf32, #tpu.memory_space<vmem_shared>>
    tpu.wait_indirect_dma semaphore(%arg21 : memref<!tpu.dma_semaphore, #tpu.memory_space<semaphore_mem>>) src(%dma_wait3A_118 : memref<2016x32xf32, #tpu.memory_space<vmem_shared>>) dst(%arg14 : memref<416x32xf32, #tpu.memory_space<vmem>>)
    %dma_wait3A_119 = arith.constant 416 : i32
    %dma_wait3A_120 = tpu.memref_slice %arg9[%dma_wait3A_119] : memref<1680xi32, #tpu.memory_space<vmem>> -> memref<416xi32, #tpu.memory_space<vmem>>
    %dma_wait3A_121 = arith.constant 0 : i32
    %dma_wait3A_122 = arith.constant 0 : i32
    %dma_wait3A_123 = tpu.memref_slice %arg19[%dma_wait3A_121, %dma_wait3A_122] : memref<2016x32xf32, #tpu.memory_space<vmem_shared>> -> memref<2016x32xf32, #tpu.memory_space<vmem_shared>>
    tpu.wait_indirect_dma semaphore(%arg21 : memref<!tpu.dma_semaphore, #tpu.memory_space<semaphore_mem>>) src(%dma_wait3A_123 : memref<2016x32xf32, #tpu.memory_space<vmem_shared>>) dst(%arg15 : memref<416x32xf32, #tpu.memory_space<vmem>>)
    %dma_wait3A_124 = arith.constant 832 : i32
    %dma_wait3A_125 = tpu.memref_slice %arg9[%dma_wait3A_124] : memref<1680xi32, #tpu.memory_space<vmem>> -> memref<416xi32, #tpu.memory_space<vmem>>
    %dma_wait3A_126 = arith.constant 0 : i32
    %dma_wait3A_127 = arith.constant 0 : i32
    %dma_wait3A_128 = tpu.memref_slice %arg19[%dma_wait3A_126, %dma_wait3A_127] : memref<2016x32xf32, #tpu.memory_space<vmem_shared>> -> memref<2016x32xf32, #tpu.memory_space<vmem_shared>>
    tpu.wait_indirect_dma semaphore(%arg21 : memref<!tpu.dma_semaphore, #tpu.memory_space<semaphore_mem>>) src(%dma_wait3A_128 : memref<2016x32xf32, #tpu.memory_space<vmem_shared>>) dst(%arg16 : memref<416x32xf32, #tpu.memory_space<vmem>>)
    %dma_wait3A_129 = arith.constant 1248 : i32
    %dma_wait3A_130 = tpu.memref_slice %arg9[%dma_wait3A_129] : memref<1680xi32, #tpu.memory_space<vmem>> -> memref<416xi32, #tpu.memory_space<vmem>>
    %dma_wait3A_131 = arith.constant 0 : i32
    %dma_wait3A_132 = arith.constant 0 : i32
    %dma_wait3A_133 = tpu.memref_slice %arg19[%dma_wait3A_131, %dma_wait3A_132] : memref<2016x32xf32, #tpu.memory_space<vmem_shared>> -> memref<2016x32xf32, #tpu.memory_space<vmem_shared>>
    tpu.wait_indirect_dma semaphore(%arg21 : memref<!tpu.dma_semaphore, #tpu.memory_space<semaphore_mem>>) src(%dma_wait3A_133 : memref<2016x32xf32, #tpu.memory_space<vmem_shared>>) dst(%arg17 : memref<416x32xf32, #tpu.memory_space<vmem>>)
    %add3A_134 = arith.constant 1664 : i32
    %add3A_135 = arith.addi %mul3A_4, %add3A_134 : i32
    %mul3A_136 = arith.constant 32 : i32
    %mul3A_137 = arith.muli %add3A_135, %mul3A_136 : i32
    %jit3A_138 = arith.constant 128 : i32
    %div3A_139 = arith.divsi %mul3A_137, %jit3A_138 : i32
    %sign3A_140 = arith.constant 0 : i32
    %sign3A_141 = arith.cmpi sgt, %mul3A_137, %sign3A_140 : i32
    %sign3A_142 = arith.extui %sign3A_141 : i1 to i32
    %sign3A_143 = arith.constant 0 : i32
    %sign3A_144 = arith.cmpi slt, %mul3A_137, %sign3A_143 : i32
    %sign3A_145 = arith.extui %sign3A_144 : i1 to i32
    %sign3A_146 = arith.subi %sign3A_142, %sign3A_145 : i32
    %sign3A_147 = arith.constant 0 : i32
    %sign3A_148 = arith.cmpi sgt, %jit3A_138, %sign3A_147 : i32
    %sign3A_149 = arith.extui %sign3A_148 : i1 to i32
    %sign3A_150 = arith.constant 0 : i32
    %sign3A_151 = arith.cmpi slt, %jit3A_138, %sign3A_150 : i32
    %sign3A_152 = arith.extui %sign3A_151 : i1 to i32
    %sign3A_153 = arith.subi %sign3A_149, %sign3A_152 : i32
    %ne3A_154 = arith.cmpi ne, %sign3A_146, %sign3A_153 : i32
    %rem3A_155 = arith.remsi %mul3A_137, %jit3A_138 : i32
    %ne3A_156 = arith.constant 0 : i32
    %ne3A_157 = arith.cmpi ne, %rem3A_155, %ne3A_156 : i32
    %and3A_158 = arith.andi %ne3A_154, %ne3A_157 : i1
    %sub3A_159 = arith.constant 1 : i32
    %sub3A_160 = arith.subi %div3A_139, %sub3A_159 : i32
    %select_n3A_161 = arith.select %and3A_158, %sub3A_160, %div3A_139 : i32
    %dma_start3A_162 = arith.constant 0 : i32
    %dma_start3A_163 = tpu.memref_slice %arg5[%select_n3A_161, %dma_start3A_162] : memref<212992x128xf32, #tpu.memory_space<hbm>> -> memref<416x32xf32, #tpu.memory_space<hbm>>
    %dma_start3A_164 = arith.constant 0 : i32
    %dma_start3A_165 = tpu.memref_slice %arg5[%select_n3A_161, %dma_start3A_164] : memref<212992x128xf32, #tpu.memory_space<hbm>> -> memref<416x32xf32, #tpu.memory_space<hbm>>
    tpu.enqueue_dma source(%arg14 : memref<416x32xf32, #tpu.memory_space<vmem>>) target(%dma_start3A_165 : memref<416x32xf32, #tpu.memory_space<hbm>>) target_semaphore(%arg23 : memref<!tpu.dma_semaphore, #tpu.memory_space<semaphore_mem>>)
    %dma_start3A_166 = arith.constant 32 : i32
    %dma_start3A_167 = tpu.memref_slice %arg5[%select_n3A_161, %dma_start3A_166] : memref<212992x128xf32, #tpu.memory_space<hbm>> -> memref<416x32xf32, #tpu.memory_space<hbm>>
    %dma_start3A_168 = arith.constant 32 : i32
    %dma_start3A_169 = tpu.memref_slice %arg5[%select_n3A_161, %dma_start3A_168] : memref<212992x128xf32, #tpu.memory_space<hbm>> -> memref<416x32xf32, #tpu.memory_space<hbm>>
    tpu.enqueue_dma source(%arg15 : memref<416x32xf32, #tpu.memory_space<vmem>>) target(%dma_start3A_169 : memref<416x32xf32, #tpu.memory_space<hbm>>) target_semaphore(%arg23 : memref<!tpu.dma_semaphore, #tpu.memory_space<semaphore_mem>>)
    %dma_start3A_170 = arith.constant 64 : i32
    %dma_start3A_171 = tpu.memref_slice %arg5[%select_n3A_161, %dma_start3A_170] : memref<212992x128xf32, #tpu.memory_space<hbm>> -> memref<416x32xf32, #tpu.memory_space<hbm>>
    %dma_start3A_172 = arith.constant 64 : i32
    %dma_start3A_173 = tpu.memref_slice %arg5[%select_n3A_161, %dma_start3A_172] : memref<212992x128xf32, #tpu.memory_space<hbm>> -> memref<416x32xf32, #tpu.memory_space<hbm>>
    tpu.enqueue_dma source(%arg16 : memref<416x32xf32, #tpu.memory_space<vmem>>) target(%dma_start3A_173 : memref<416x32xf32, #tpu.memory_space<hbm>>) target_semaphore(%arg23 : memref<!tpu.dma_semaphore, #tpu.memory_space<semaphore_mem>>)
    %dma_start3A_174 = arith.constant 96 : i32
    %dma_start3A_175 = tpu.memref_slice %arg5[%select_n3A_161, %dma_start3A_174] : memref<212992x128xf32, #tpu.memory_space<hbm>> -> memref<416x32xf32, #tpu.memory_space<hbm>>
    %dma_start3A_176 = arith.constant 96 : i32
    %dma_start3A_177 = tpu.memref_slice %arg5[%select_n3A_161, %dma_start3A_176] : memref<212992x128xf32, #tpu.memory_space<hbm>> -> memref<416x32xf32, #tpu.memory_space<hbm>>
    tpu.enqueue_dma source(%arg17 : memref<416x32xf32, #tpu.memory_space<vmem>>) target(%dma_start3A_177 : memref<416x32xf32, #tpu.memory_space<hbm>>) target_semaphore(%arg23 : memref<!tpu.dma_semaphore, #tpu.memory_space<semaphore_mem>>)
    %scan3A_178 = arith.constant 0 : i32
    %scan3A_179 = arith.constant 7 : i32
    %scan3A_180 = arith.addi %scan3A_178, %scan3A_179 : i32
    %scan3A_181 = arith.constant 1 : i32
    scf.for %scan3A_271 = %scan3A_178 to %scan3A_180 step %scan3A_181  : i32 {
      %mul3A_272 = arith.constant 2 : i32
      %mul3A_273 = arith.muli %scan3A_271, %mul3A_272 : i32
      %add3A_274 = arith.constant 2 : i32
      %add3A_275 = arith.addi %add3A_274, %mul3A_273 : i32
      %add3A_276 = arith.constant 0 : i32
      %add3A_277 = arith.addi %add3A_275, %add3A_276 : i32
      %sub3A_278 = arith.constant 2 : i32
      %sub3A_279 = arith.subi %add3A_277, %sub3A_278 : i32
      %mul3A_280 = arith.constant 1664 : i32
      %mul3A_281 = arith.muli %sub3A_279, %mul3A_280 : i32
      %add3A_282 = arith.addi %mul3A_4, %mul3A_281 : i32
      %mul3A_283 = arith.constant 32 : i32
      %mul3A_284 = arith.muli %add3A_282, %mul3A_283 : i32
      %jit3A_285 = arith.constant 128 : i32
      %div3A_286 = arith.divsi %mul3A_284, %jit3A_285 : i32
      %sign3A_287 = arith.constant 0 : i32
      %sign3A_288 = arith.cmpi sgt, %mul3A_284, %sign3A_287 : i32
      %sign3A_289 = arith.extui %sign3A_288 : i1 to i32
      %sign3A_290 = arith.constant 0 : i32
      %sign3A_291 = arith.cmpi slt, %mul3A_284, %sign3A_290 : i32
      %sign3A_292 = arith.extui %sign3A_291 : i1 to i32
      %sign3A_293 = arith.subi %sign3A_289, %sign3A_292 : i32
      %sign3A_294 = arith.constant 0 : i32
      %sign3A_295 = arith.cmpi sgt, %jit3A_285, %sign3A_294 : i32
      %sign3A_296 = arith.extui %sign3A_295 : i1 to i32
      %sign3A_297 = arith.constant 0 : i32
      %sign3A_298 = arith.cmpi slt, %jit3A_285, %sign3A_297 : i32
      %sign3A_299 = arith.extui %sign3A_298 : i1 to i32
      %sign3A_300 = arith.subi %sign3A_296, %sign3A_299 : i32
      %ne3A_301 = arith.cmpi ne, %sign3A_293, %sign3A_300 : i32
      %rem3A_302 = arith.remsi %mul3A_284, %jit3A_285 : i32
      %ne3A_303 = arith.constant 0 : i32
      %ne3A_304 = arith.cmpi ne, %rem3A_302, %ne3A_303 : i32
      %and3A_305 = arith.andi %ne3A_301, %ne3A_304 : i1
      %sub3A_306 = arith.constant 1 : i32
      %sub3A_307 = arith.subi %div3A_286, %sub3A_306 : i32
      %select_n3A_308 = arith.select %and3A_305, %sub3A_307, %div3A_286 : i32
      %dma_wait3A_309 = arith.constant 0 : i32
      %dma_wait3A_310 = tpu.memref_slice %arg5[%select_n3A_308, %dma_wait3A_309] : memref<212992x128xf32, #tpu.memory_space<hbm>> -> memref<416x32xf32, #tpu.memory_space<hbm>>
      %dma_wait3A_311 = arith.constant 0 : i32
      %dma_wait3A_312 = tpu.memref_slice %arg5[%select_n3A_308, %dma_wait3A_311] : memref<212992x128xf32, #tpu.memory_space<hbm>> -> memref<416x32xf32, #tpu.memory_space<hbm>>
      tpu.wait_dma2 semaphore(%arg22 : memref<!tpu.dma_semaphore, #tpu.memory_space<semaphore_mem>>) src(%arg10 : memref<416x32xf32, #tpu.memory_space<vmem>>) dst(%dma_wait3A_312 : memref<416x32xf32, #tpu.memory_space<hbm>>)
      %dma_wait3A_313 = arith.constant 32 : i32
      %dma_wait3A_314 = tpu.memref_slice %arg5[%select_n3A_308, %dma_wait3A_313] : memref<212992x128xf32, #tpu.memory_space<hbm>> -> memref<416x32xf32, #tpu.memory_space<hbm>>
      %dma_wait3A_315 = arith.constant 32 : i32
      %dma_wait3A_316 = tpu.memref_slice %arg5[%select_n3A_308, %dma_wait3A_315] : memref<212992x128xf32, #tpu.memory_space<hbm>> -> memref<416x32xf32, #tpu.memory_space<hbm>>
      tpu.wait_dma2 semaphore(%arg22 : memref<!tpu.dma_semaphore, #tpu.memory_space<semaphore_mem>>) src(%arg11 : memref<416x32xf32, #tpu.memory_space<vmem>>) dst(%dma_wait3A_316 : memref<416x32xf32, #tpu.memory_space<hbm>>)
      %dma_wait3A_317 = arith.constant 64 : i32
      %dma_wait3A_318 = tpu.memref_slice %arg5[%select_n3A_308, %dma_wait3A_317] : memref<212992x128xf32, #tpu.memory_space<hbm>> -> memref<416x32xf32, #tpu.memory_space<hbm>>
      %dma_wait3A_319 = arith.constant 64 : i32
      %dma_wait3A_320 = tpu.memref_slice %arg5[%select_n3A_308, %dma_wait3A_319] : memref<212992x128xf32, #tpu.memory_space<hbm>> -> memref<416x32xf32, #tpu.memory_space<hbm>>
      tpu.wait_dma2 semaphore(%arg22 : memref<!tpu.dma_semaphore, #tpu.memory_space<semaphore_mem>>) src(%arg12 : memref<416x32xf32, #tpu.memory_space<vmem>>) dst(%dma_wait3A_320 : memref<416x32xf32, #tpu.memory_space<hbm>>)
      %dma_wait3A_321 = arith.constant 96 : i32
      %dma_wait3A_322 = tpu.memref_slice %arg5[%select_n3A_308, %dma_wait3A_321] : memref<212992x128xf32, #tpu.memory_space<hbm>> -> memref<416x32xf32, #tpu.memory_space<hbm>>
      %dma_wait3A_323 = arith.constant 96 : i32
      %dma_wait3A_324 = tpu.memref_slice %arg5[%select_n3A_308, %dma_wait3A_323] : memref<212992x128xf32, #tpu.memory_space<hbm>> -> memref<416x32xf32, #tpu.memory_space<hbm>>
      tpu.wait_dma2 semaphore(%arg22 : memref<!tpu.dma_semaphore, #tpu.memory_space<semaphore_mem>>) src(%arg13 : memref<416x32xf32, #tpu.memory_space<vmem>>) dst(%dma_wait3A_324 : memref<416x32xf32, #tpu.memory_space<hbm>>)
      %mul3A_325 = arith.constant 32 : i32
      %mul3A_326 = arith.muli %add3A_277, %mul3A_325 : i32
      %add3A_327 = arith.addi %mul3A_2, %mul3A_326 : i32
      "tpu.region"() ({
        %run_scoped3A = tpu.sem_alloc : memref<!tpu.dma_semaphore, #tpu.memory_space<semaphore_mem>>
        %dma_start3A_560 = arith.constant 0 : i32
        %dma_start3A_561 = tpu.memref_slice %arg3[%add3A_327, %dma_start3A_560] : memref<16384x128xi32, #tpu.memory_space<hbm>> -> memref<32x128xi32, #tpu.memory_space<hbm>>
        %dma_start3A_562 = arith.constant 0 : i32
        %dma_start3A_563 = tpu.memref_slice %arg3[%add3A_327, %dma_start3A_562] : memref<16384x128xi32, #tpu.memory_space<hbm>> -> memref<32x128xi32, #tpu.memory_space<hbm>>
        tpu.enqueue_dma source(%dma_start3A_563 : memref<32x128xi32, #tpu.memory_space<hbm>>) target(%arg6 : memref<32x128xi32, #tpu.memory_space<vmem>>) target_semaphore(%run_scoped3A : memref<!tpu.dma_semaphore, #tpu.memory_space<semaphore_mem>>)
        %dma_wait3A_564 = arith.constant 0 : i32
        %dma_wait3A_565 = tpu.memref_slice %arg3[%add3A_327, %dma_wait3A_564] : memref<16384x128xi32, #tpu.memory_space<hbm>> -> memref<32x128xi32, #tpu.memory_space<hbm>>
        %dma_wait3A_566 = arith.constant 0 : i32
        %dma_wait3A_567 = tpu.memref_slice %arg3[%add3A_327, %dma_wait3A_566] : memref<16384x128xi32, #tpu.memory_space<hbm>> -> memref<32x128xi32, #tpu.memory_space<hbm>>
        tpu.wait_dma2 semaphore(%run_scoped3A : memref<!tpu.dma_semaphore, #tpu.memory_space<semaphore_mem>>) src(%dma_wait3A_567 : memref<32x128xi32, #tpu.memory_space<hbm>>) dst(%arg6 : memref<32x128xi32, #tpu.memory_space<vmem>>)
        tpu.yield
      }) : () -> ()
      %scan3A_328 = arith.constant 0 : i32
      %scan3A_329 = arith.constant 32 : i32
      %scan3A_330 = arith.addi %scan3A_328, %scan3A_329 : i32
      %scan3A_331 = arith.constant 1 : i32
      scf.for %scan3A_560 = %scan3A_328 to %scan3A_330 step %scan3A_331  : i32 {
        %mul3A_561 = arith.constant 1 : i32
        %mul3A_562 = arith.muli %scan3A_560, %mul3A_561 : i32
        %add3A_563 = arith.constant 0 : i32
        %add3A_564 = arith.addi %add3A_563, %mul3A_562 : i32
        %get3A = arith.index_cast %add3A_564 : i32 to index
        %get3A_565 = arith.constant 0 : index
        %get3A_566 = tpu.vector_load %arg6[%get3A, %get3A_565] {strides = array<i32>} : memref<32x128xi32, #tpu.memory_space<vmem>>, vector<16xi32>,
        %get3A_567 = arith.index_cast %add3A_564 : i32 to index
        %get3A_568 = arith.constant 0 : index
        %get3A_569 = tpu.vector_load %arg18[%get3A_567, %get3A_568] {strides = array<i32>} : memref<32x128xi32, #tpu.memory_space<vmem>>, vector<16xi32>,
        tpu.vector_store_idx %arg8[%get3A_569], %get3A_566 : memref<1680xi32, #tpu.memory_space<vmem>>[vector<16xi32>], vector<16xi32>,
        %get3A_570 = arith.index_cast %add3A_564 : i32 to index
        %get3A_571 = arith.constant 16 : index
        %get3A_572 = tpu.vector_load %arg6[%get3A_570, %get3A_571] {strides = array<i32>} : memref<32x128xi32, #tpu.memory_space<vmem>>, vector<16xi32>,
        %get3A_573 = arith.index_cast %add3A_564 : i32 to index
        %get3A_574 = arith.constant 16 : index
        %get3A_575 = tpu.vector_load %arg18[%get3A_573, %get3A_574] {strides = array<i32>} : memref<32x128xi32, #tpu.memory_space<vmem>>, vector<16xi32>,
        tpu.vector_store_idx %arg8[%get3A_575], %get3A_572 : memref<1680xi32, #tpu.memory_space<vmem>>[vector<16xi32>], vector<16xi32>,
        %get3A_576 = arith.index_cast %add3A_564 : i32 to index
        %get3A_577 = arith.constant 32 : index
        %get3A_578 = tpu.vector_load %arg6[%get3A_576, %get3A_577] {strides = array<i32>} : memref<32x128xi32, #tpu.memory_space<vmem>>, vector<16xi32>,
        %get3A_579 = arith.index_cast %add3A_564 : i32 to index
        %get3A_580 = arith.constant 32 : index
        %get3A_581 = tpu.vector_load %arg18[%get3A_579, %get3A_580] {strides = array<i32>} : memref<32x128xi32, #tpu.memory_space<vmem>>, vector<16xi32>,
        tpu.vector_store_idx %arg8[%get3A_581], %get3A_578 : memref<1680xi32, #tpu.memory_space<vmem>>[vector<16xi32>], vector<16xi32>,
        %get3A_582 = arith.index_cast %add3A_564 : i32 to index
        %get3A_583 = arith.constant 48 : index
        %get3A_584 = tpu.vector_load %arg6[%get3A_582, %get3A_583] {strides = array<i32>} : memref<32x128xi32, #tpu.memory_space<vmem>>, vector<16xi32>,
        %get3A_585 = arith.index_cast %add3A_564 : i32 to index
        %get3A_586 = arith.constant 48 : index
        %get3A_587 = tpu.vector_load %arg18[%get3A_585, %get3A_586] {strides = array<i32>} : memref<32x128xi32, #tpu.memory_space<vmem>>, vector<16xi32>,
        tpu.vector_store_idx %arg8[%get3A_587], %get3A_584 : memref<1680xi32, #tpu.memory_space<vmem>>[vector<16xi32>], vector<16xi32>,
      }
      %scan3A_332 = arith.constant 32 : i32
      %dma_start3A_333 = arith.constant 0 : i32
      %dma_start3A_334 = tpu.memref_slice %arg8[%dma_start3A_333] : memref<1680xi32, #tpu.memory_space<vmem>> -> memref<416xi32, #tpu.memory_space<vmem>>
      %dma_start3A_335 = arith.constant 0 : i32
      %dma_start3A_336 = arith.constant 0 : i32
      %dma_start3A_337 = tpu.memref_slice %arg19[%dma_start3A_335, %dma_start3A_336] : memref<2016x32xf32, #tpu.memory_space<vmem_shared>> -> memref<2016x32xf32, #tpu.memory_space<vmem_shared>>
      tpu.enqueue_indirect_dma source(%dma_start3A_337 : memref<2016x32xf32, #tpu.memory_space<vmem_shared>>) target(%arg10 : memref<416x32xf32, #tpu.memory_space<vmem>>) offsets(%dma_start3A_334 : memref<416xi32, #tpu.memory_space<vmem>>) semaphore(%arg20 : memref<!tpu.dma_semaphore, #tpu.memory_space<semaphore_mem>>)
      %dma_start3A_338 = arith.constant 416 : i32
      %dma_start3A_339 = tpu.memref_slice %arg8[%dma_start3A_338] : memref<1680xi32, #tpu.memory_space<vmem>> -> memref<416xi32, #tpu.memory_space<vmem>>
      %dma_start3A_340 = arith.constant 0 : i32
      %dma_start3A_341 = arith.constant 0 : i32
      %dma_start3A_342 = tpu.memref_slice %arg19[%dma_start3A_340, %dma_start3A_341] : memref<2016x32xf32, #tpu.memory_space<vmem_shared>> -> memref<2016x32xf32, #tpu.memory_space<vmem_shared>>
      tpu.enqueue_indirect_dma source(%dma_start3A_342 : memref<2016x32xf32, #tpu.memory_space<vmem_shared>>) target(%arg11 : memref<416x32xf32, #tpu.memory_space<vmem>>) offsets(%dma_start3A_339 : memref<416xi32, #tpu.memory_space<vmem>>) semaphore(%arg20 : memref<!tpu.dma_semaphore, #tpu.memory_space<semaphore_mem>>)
      %dma_start3A_343 = arith.constant 832 : i32
      %dma_start3A_344 = tpu.memref_slice %arg8[%dma_start3A_343] : memref<1680xi32, #tpu.memory_space<vmem>> -> memref<416xi32, #tpu.memory_space<vmem>>
      %dma_start3A_345 = arith.constant 0 : i32
      %dma_start3A_346 = arith.constant 0 : i32
      %dma_start3A_347 = tpu.memref_slice %arg19[%dma_start3A_345, %dma_start3A_346] : memref<2016x32xf32, #tpu.memory_space<vmem_shared>> -> memref<2016x32xf32, #tpu.memory_space<vmem_shared>>
      tpu.enqueue_indirect_dma source(%dma_start3A_347 : memref<2016x32xf32, #tpu.memory_space<vmem_shared>>) target(%arg12 : memref<416x32xf32, #tpu.memory_space<vmem>>) offsets(%dma_start3A_344 : memref<416xi32, #tpu.memory_space<vmem>>) semaphore(%arg20 : memref<!tpu.dma_semaphore, #tpu.memory_space<semaphore_mem>>)
      %dma_start3A_348 = arith.constant 1248 : i32
      %dma_start3A_349 = tpu.memref_slice %arg8[%dma_start3A_348] : memref<1680xi32, #tpu.memory_space<vmem>> -> memref<416xi32, #tpu.memory_space<vmem>>
      %dma_start3A_350 = arith.constant 0 : i32
      %dma_start3A_351 = arith.constant 0 : i32
      %dma_start3A_352 = tpu.memref_slice %arg19[%dma_start3A_350, %dma_start3A_351] : memref<2016x32xf32, #tpu.memory_space<vmem_shared>> -> memref<2016x32xf32, #tpu.memory_space<vmem_shared>>
      tpu.enqueue_indirect_dma source(%dma_start3A_352 : memref<2016x32xf32, #tpu.memory_space<vmem_shared>>) target(%arg13 : memref<416x32xf32, #tpu.memory_space<vmem>>) offsets(%dma_start3A_349 : memref<416xi32, #tpu.memory_space<vmem>>) semaphore(%arg20 : memref<!tpu.dma_semaphore, #tpu.memory_space<semaphore_mem>>)
      %dma_wait3A_353 = arith.constant 0 : i32
      %dma_wait3A_354 = tpu.memref_slice %arg8[%dma_wait3A_353] : memref<1680xi32, #tpu.memory_space<vmem>> -> memref<416xi32, #tpu.memory_space<vmem>>
      %dma_wait3A_355 = arith.constant 0 : i32
      %dma_wait3A_356 = arith.constant 0 : i32
      %dma_wait3A_357 = tpu.memref_slice %arg19[%dma_wait3A_355, %dma_wait3A_356] : memref<2016x32xf32, #tpu.memory_space<vmem_shared>> -> memref<2016x32xf32, #tpu.memory_space<vmem_shared>>
      tpu.wait_indirect_dma semaphore(%arg20 : memref<!tpu.dma_semaphore, #tpu.memory_space<semaphore_mem>>) src(%dma_wait3A_357 : memref<2016x32xf32, #tpu.memory_space<vmem_shared>>) dst(%arg10 : memref<416x32xf32, #tpu.memory_space<vmem>>)
      %dma_wait3A_358 = arith.constant 416 : i32
      %dma_wait3A_359 = tpu.memref_slice %arg8[%dma_wait3A_358] : memref<1680xi32, #tpu.memory_space<vmem>> -> memref<416xi32, #tpu.memory_space<vmem>>
      %dma_wait3A_360 = arith.constant 0 : i32
      %dma_wait3A_361 = arith.constant 0 : i32
      %dma_wait3A_362 = tpu.memref_slice %arg19[%dma_wait3A_360, %dma_wait3A_361] : memref<2016x32xf32, #tpu.memory_space<vmem_shared>> -> memref<2016x32xf32, #tpu.memory_space<vmem_shared>>
      tpu.wait_indirect_dma semaphore(%arg20 : memref<!tpu.dma_semaphore, #tpu.memory_space<semaphore_mem>>) src(%dma_wait3A_362 : memref<2016x32xf32, #tpu.memory_space<vmem_shared>>) dst(%arg11 : memref<416x32xf32, #tpu.memory_space<vmem>>)
      %dma_wait3A_363 = arith.constant 832 : i32
      %dma_wait3A_364 = tpu.memref_slice %arg8[%dma_wait3A_363] : memref<1680xi32, #tpu.memory_space<vmem>> -> memref<416xi32, #tpu.memory_space<vmem>>
      %dma_wait3A_365 = arith.constant 0 : i32
      %dma_wait3A_366 = arith.constant 0 : i32
      %dma_wait3A_367 = tpu.memref_slice %arg19[%dma_wait3A_365, %dma_wait3A_366] : memref<2016x32xf32, #tpu.memory_space<vmem_shared>> -> memref<2016x32xf32, #tpu.memory_space<vmem_shared>>
      tpu.wait_indirect_dma semaphore(%arg20 : memref<!tpu.dma_semaphore, #tpu.memory_space<semaphore_mem>>) src(%dma_wait3A_367 : memref<2016x32xf32, #tpu.memory_space<vmem_shared>>) dst(%arg12 : memref<416x32xf32, #tpu.memory_space<vmem>>)
      %dma_wait3A_368 = arith.constant 1248 : i32
      %dma_wait3A_369 = tpu.memref_slice %arg8[%dma_wait3A_368] : memref<1680xi32, #tpu.memory_space<vmem>> -> memref<416xi32, #tpu.memory_space<vmem>>
      %dma_wait3A_370 = arith.constant 0 : i32
      %dma_wait3A_371 = arith.constant 0 : i32
      %dma_wait3A_372 = tpu.memref_slice %arg19[%dma_wait3A_370, %dma_wait3A_371] : memref<2016x32xf32, #tpu.memory_space<vmem_shared>> -> memref<2016x32xf32, #tpu.memory_space<vmem_shared>>
      tpu.wait_indirect_dma semaphore(%arg20 : memref<!tpu.dma_semaphore, #tpu.memory_space<semaphore_mem>>) src(%dma_wait3A_372 : memref<2016x32xf32, #tpu.memory_space<vmem_shared>>) dst(%arg13 : memref<416x32xf32, #tpu.memory_space<vmem>>)
      %mul3A_373 = arith.constant 1664 : i32
      %mul3A_374 = arith.muli %add3A_277, %mul3A_373 : i32
      %add3A_375 = arith.addi %mul3A_4, %mul3A_374 : i32
      %mul3A_376 = arith.constant 32 : i32
      %mul3A_377 = arith.muli %add3A_375, %mul3A_376 : i32
      %jit3A_378 = arith.constant 128 : i32
      %div3A_379 = arith.divsi %mul3A_377, %jit3A_378 : i32
      %sign3A_380 = arith.constant 0 : i32
      %sign3A_381 = arith.cmpi sgt, %mul3A_377, %sign3A_380 : i32
      %sign3A_382 = arith.extui %sign3A_381 : i1 to i32
      %sign3A_383 = arith.constant 0 : i32
      %sign3A_384 = arith.cmpi slt, %mul3A_377, %sign3A_383 : i32
      %sign3A_385 = arith.extui %sign3A_384 : i1 to i32
      %sign3A_386 = arith.subi %sign3A_382, %sign3A_385 : i32
      %sign3A_387 = arith.constant 0 : i32
      %sign3A_388 = arith.cmpi sgt, %jit3A_378, %sign3A_387 : i32
      %sign3A_389 = arith.extui %sign3A_388 : i1 to i32
      %sign3A_390 = arith.constant 0 : i32
      %sign3A_391 = arith.cmpi slt, %jit3A_378, %sign3A_390 : i32
      %sign3A_392 = arith.extui %sign3A_391 : i1 to i32
      %sign3A_393 = arith.subi %sign3A_389, %sign3A_392 : i32
      %ne3A_394 = arith.cmpi ne, %sign3A_386, %sign3A_393 : i32
      %rem3A_395 = arith.remsi %mul3A_377, %jit3A_378 : i32
      %ne3A_396 = arith.constant 0 : i32
      %ne3A_397 = arith.cmpi ne, %rem3A_395, %ne3A_396 : i32
      %and3A_398 = arith.andi %ne3A_394, %ne3A_397 : i1
      %sub3A_399 = arith.constant 1 : i32
      %sub3A_400 = arith.subi %div3A_379, %sub3A_399 : i32
      %select_n3A_401 = arith.select %and3A_398, %sub3A_400, %div3A_379 : i32
      %dma_start3A_402 = arith.constant 0 : i32
      %dma_start3A_403 = tpu.memref_slice %arg5[%select_n3A_401, %dma_start3A_402] : memref<212992x128xf32, #tpu.memory_space<hbm>> -> memref<416x32xf32, #tpu.memory_space<hbm>>
      %dma_start3A_404 = arith.constant 0 : i32
      %dma_start3A_405 = tpu.memref_slice %arg5[%select_n3A_401, %dma_start3A_404] : memref<212992x128xf32, #tpu.memory_space<hbm>> -> memref<416x32xf32, #tpu.memory_space<hbm>>
      tpu.enqueue_dma source(%arg10 : memref<416x32xf32, #tpu.memory_space<vmem>>) target(%dma_start3A_405 : memref<416x32xf32, #tpu.memory_space<hbm>>) target_semaphore(%arg22 : memref<!tpu.dma_semaphore, #tpu.memory_space<semaphore_mem>>)
      %dma_start3A_406 = arith.constant 32 : i32
      %dma_start3A_407 = tpu.memref_slice %arg5[%select_n3A_401, %dma_start3A_406] : memref<212992x128xf32, #tpu.memory_space<hbm>> -> memref<416x32xf32, #tpu.memory_space<hbm>>
      %dma_start3A_408 = arith.constant 32 : i32
      %dma_start3A_409 = tpu.memref_slice %arg5[%select_n3A_401, %dma_start3A_408] : memref<212992x128xf32, #tpu.memory_space<hbm>> -> memref<416x32xf32, #tpu.memory_space<hbm>>
      tpu.enqueue_dma source(%arg11 : memref<416x32xf32, #tpu.memory_space<vmem>>) target(%dma_start3A_409 : memref<416x32xf32, #tpu.memory_space<hbm>>) target_semaphore(%arg22 : memref<!tpu.dma_semaphore, #tpu.memory_space<semaphore_mem>>)
      %dma_start3A_410 = arith.constant 64 : i32
      %dma_start3A_411 = tpu.memref_slice %arg5[%select_n3A_401, %dma_start3A_410] : memref<212992x128xf32, #tpu.memory_space<hbm>> -> memref<416x32xf32, #tpu.memory_space<hbm>>
      %dma_start3A_412 = arith.constant 64 : i32
      %dma_start3A_413 = tpu.memref_slice %arg5[%select_n3A_401, %dma_start3A_412] : memref<212992x128xf32, #tpu.memory_space<hbm>> -> memref<416x32xf32, #tpu.memory_space<hbm>>
      tpu.enqueue_dma source(%arg12 : memref<416x32xf32, #tpu.memory_space<vmem>>) target(%dma_start3A_413 : memref<416x32xf32, #tpu.memory_space<hbm>>) target_semaphore(%arg22 : memref<!tpu.dma_semaphore, #tpu.memory_space<semaphore_mem>>)
      %dma_start3A_414 = arith.constant 96 : i32
      %dma_start3A_415 = tpu.memref_slice %arg5[%select_n3A_401, %dma_start3A_414] : memref<212992x128xf32, #tpu.memory_space<hbm>> -> memref<416x32xf32, #tpu.memory_space<hbm>>
      %dma_start3A_416 = arith.constant 96 : i32
      %dma_start3A_417 = tpu.memref_slice %arg5[%select_n3A_401, %dma_start3A_416] : memref<212992x128xf32, #tpu.memory_space<hbm>> -> memref<416x32xf32, #tpu.memory_space<hbm>>
      tpu.enqueue_dma source(%arg13 : memref<416x32xf32, #tpu.memory_space<vmem>>) target(%dma_start3A_417 : memref<416x32xf32, #tpu.memory_space<hbm>>) target_semaphore(%arg22 : memref<!tpu.dma_semaphore, #tpu.memory_space<semaphore_mem>>)
      %add3A_418 = arith.constant 1 : i32
      %add3A_419 = arith.addi %add3A_275, %add3A_418 : i32
      %sub3A_420 = arith.constant 2 : i32
      %sub3A_421 = arith.subi %add3A_419, %sub3A_420 : i32
      %mul3A_422 = arith.constant 1664 : i32
      %mul3A_423 = arith.muli %sub3A_421, %mul3A_422 : i32
      %add3A_424 = arith.addi %mul3A_4, %mul3A_423 : i32
      %mul3A_425 = arith.constant 32 : i32
      %mul3A_426 = arith.muli %add3A_424, %mul3A_425 : i32
      %jit3A_427 = arith.constant 128 : i32
      %div3A_428 = arith.divsi %mul3A_426, %jit3A_427 : i32
      %sign3A_429 = arith.constant 0 : i32
      %sign3A_430 = arith.cmpi sgt, %mul3A_426, %sign3A_429 : i32
      %sign3A_431 = arith.extui %sign3A_430 : i1 to i32
      %sign3A_432 = arith.constant 0 : i32
      %sign3A_433 = arith.cmpi slt, %mul3A_426, %sign3A_432 : i32
      %sign3A_434 = arith.extui %sign3A_433 : i1 to i32
      %sign3A_435 = arith.subi %sign3A_431, %sign3A_434 : i32
      %sign3A_436 = arith.constant 0 : i32
      %sign3A_437 = arith.cmpi sgt, %jit3A_427, %sign3A_436 : i32
      %sign3A_438 = arith.extui %sign3A_437 : i1 to i32
      %sign3A_439 = arith.constant 0 : i32
      %sign3A_440 = arith.cmpi slt, %jit3A_427, %sign3A_439 : i32
      %sign3A_441 = arith.extui %sign3A_440 : i1 to i32
      %sign3A_442 = arith.subi %sign3A_438, %sign3A_441 : i32
      %ne3A_443 = arith.cmpi ne, %sign3A_435, %sign3A_442 : i32
      %rem3A_444 = arith.remsi %mul3A_426, %jit3A_427 : i32
      %ne3A_445 = arith.constant 0 : i32
      %ne3A_446 = arith.cmpi ne, %rem3A_444, %ne3A_445 : i32
      %and3A_447 = arith.andi %ne3A_443, %ne3A_446 : i1
      %sub3A_448 = arith.constant 1 : i32
      %sub3A_449 = arith.subi %div3A_428, %sub3A_448 : i32
      %select_n3A_450 = arith.select %and3A_447, %sub3A_449, %div3A_428 : i32
      %dma_wait3A_451 = arith.constant 0 : i32
      %dma_wait3A_452 = tpu.memref_slice %arg5[%select_n3A_450, %dma_wait3A_451] : memref<212992x128xf32, #tpu.memory_space<hbm>> -> memref<416x32xf32, #tpu.memory_space<hbm>>
      %dma_wait3A_453 = arith.constant 0 : i32
      %dma_wait3A_454 = tpu.memref_slice %arg5[%select_n3A_450, %dma_wait3A_453] : memref<212992x128xf32, #tpu.memory_space<hbm>> -> memref<416x32xf32, #tpu.memory_space<hbm>>
      tpu.wait_dma2 semaphore(%arg23 : memref<!tpu.dma_semaphore, #tpu.memory_space<semaphore_mem>>) src(%arg14 : memref<416x32xf32, #tpu.memory_space<vmem>>) dst(%dma_wait3A_454 : memref<416x32xf32, #tpu.memory_space<hbm>>)
      %dma_wait3A_455 = arith.constant 32 : i32
      %dma_wait3A_456 = tpu.memref_slice %arg5[%select_n3A_450, %dma_wait3A_455] : memref<212992x128xf32, #tpu.memory_space<hbm>> -> memref<416x32xf32, #tpu.memory_space<hbm>>
      %dma_wait3A_457 = arith.constant 32 : i32
      %dma_wait3A_458 = tpu.memref_slice %arg5[%select_n3A_450, %dma_wait3A_457] : memref<212992x128xf32, #tpu.memory_space<hbm>> -> memref<416x32xf32, #tpu.memory_space<hbm>>
      tpu.wait_dma2 semaphore(%arg23 : memref<!tpu.dma_semaphore, #tpu.memory_space<semaphore_mem>>) src(%arg15 : memref<416x32xf32, #tpu.memory_space<vmem>>) dst(%dma_wait3A_458 : memref<416x32xf32, #tpu.memory_space<hbm>>)
      %dma_wait3A_459 = arith.constant 64 : i32
      %dma_wait3A_460 = tpu.memref_slice %arg5[%select_n3A_450, %dma_wait3A_459] : memref<212992x128xf32, #tpu.memory_space<hbm>> -> memref<416x32xf32, #tpu.memory_space<hbm>>
      %dma_wait3A_461 = arith.constant 64 : i32
      %dma_wait3A_462 = tpu.memref_slice %arg5[%select_n3A_450, %dma_wait3A_461] : memref<212992x128xf32, #tpu.memory_space<hbm>> -> memref<416x32xf32, #tpu.memory_space<hbm>>
      tpu.wait_dma2 semaphore(%arg23 : memref<!tpu.dma_semaphore, #tpu.memory_space<semaphore_mem>>) src(%arg16 : memref<416x32xf32, #tpu.memory_space<vmem>>) dst(%dma_wait3A_462 : memref<416x32xf32, #tpu.memory_space<hbm>>)
      %dma_wait3A_463 = arith.constant 96 : i32
      %dma_wait3A_464 = tpu.memref_slice %arg5[%select_n3A_450, %dma_wait3A_463] : memref<212992x128xf32, #tpu.memory_space<hbm>> -> memref<416x32xf32, #tpu.memory_space<hbm>>
      %dma_wait3A_465 = arith.constant 96 : i32
      %dma_wait3A_466 = tpu.memref_slice %arg5[%select_n3A_450, %dma_wait3A_465] : memref<212992x128xf32, #tpu.memory_space<hbm>> -> memref<416x32xf32, #tpu.memory_space<hbm>>
      tpu.wait_dma2 semaphore(%arg23 : memref<!tpu.dma_semaphore, #tpu.memory_space<semaphore_mem>>) src(%arg17 : memref<416x32xf32, #tpu.memory_space<vmem>>) dst(%dma_wait3A_466 : memref<416x32xf32, #tpu.memory_space<hbm>>)
      %mul3A_467 = arith.constant 32 : i32
      %mul3A_468 = arith.muli %add3A_419, %mul3A_467 : i32
      %add3A_469 = arith.addi %mul3A_2, %mul3A_468 : i32
      "tpu.region"() ({
        %run_scoped3A = tpu.sem_alloc : memref<!tpu.dma_semaphore, #tpu.memory_space<semaphore_mem>>
        %dma_start3A_560 = arith.constant 0 : i32
        %dma_start3A_561 = tpu.memref_slice %arg3[%add3A_469, %dma_start3A_560] : memref<16384x128xi32, #tpu.memory_space<hbm>> -> memref<32x128xi32, #tpu.memory_space<hbm>>
        %dma_start3A_562 = arith.constant 0 : i32
        %dma_start3A_563 = tpu.memref_slice %arg3[%add3A_469, %dma_start3A_562] : memref<16384x128xi32, #tpu.memory_space<hbm>> -> memref<32x128xi32, #tpu.memory_space<hbm>>
        tpu.enqueue_dma source(%dma_start3A_563 : memref<32x128xi32, #tpu.memory_space<hbm>>) target(%arg7 : memref<32x128xi32, #tpu.memory_space<vmem>>) target_semaphore(%run_scoped3A : memref<!tpu.dma_semaphore, #tpu.memory_space<semaphore_mem>>)
        %dma_wait3A_564 = arith.constant 0 : i32
        %dma_wait3A_565 = tpu.memref_slice %arg3[%add3A_469, %dma_wait3A_564] : memref<16384x128xi32, #tpu.memory_space<hbm>> -> memref<32x128xi32, #tpu.memory_space<hbm>>
        %dma_wait3A_566 = arith.constant 0 : i32
        %dma_wait3A_567 = tpu.memref_slice %arg3[%add3A_469, %dma_wait3A_566] : memref<16384x128xi32, #tpu.memory_space<hbm>> -> memref<32x128xi32, #tpu.memory_space<hbm>>
        tpu.wait_dma2 semaphore(%run_scoped3A : memref<!tpu.dma_semaphore, #tpu.memory_space<semaphore_mem>>) src(%dma_wait3A_567 : memref<32x128xi32, #tpu.memory_space<hbm>>) dst(%arg7 : memref<32x128xi32, #tpu.memory_space<vmem>>)
        tpu.yield
      }) : () -> ()
      %scan3A_470 = arith.constant 0 : i32
      %scan3A_471 = arith.constant 32 : i32
      %scan3A_472 = arith.addi %scan3A_470, %scan3A_471 : i32
      %scan3A_473 = arith.constant 1 : i32
      scf.for %scan3A_560 = %scan3A_470 to %scan3A_472 step %scan3A_473  : i32 {
        %mul3A_561 = arith.constant 1 : i32
        %mul3A_562 = arith.muli %scan3A_560, %mul3A_561 : i32
        %add3A_563 = arith.constant 0 : i32
        %add3A_564 = arith.addi %add3A_563, %mul3A_562 : i32
        %get3A = arith.index_cast %add3A_564 : i32 to index
        %get3A_565 = arith.constant 0 : index
        %get3A_566 = tpu.vector_load %arg7[%get3A, %get3A_565] {strides = array<i32>} : memref<32x128xi32, #tpu.memory_space<vmem>>, vector<16xi32>,
        %get3A_567 = arith.index_cast %add3A_564 : i32 to index
        %get3A_568 = arith.constant 0 : index
        %get3A_569 = tpu.vector_load %arg18[%get3A_567, %get3A_568] {strides = array<i32>} : memref<32x128xi32, #tpu.memory_space<vmem>>, vector<16xi32>,
        tpu.vector_store_idx %arg9[%get3A_569], %get3A_566 : memref<1680xi32, #tpu.memory_space<vmem>>[vector<16xi32>], vector<16xi32>,
        %get3A_570 = arith.index_cast %add3A_564 : i32 to index
        %get3A_571 = arith.constant 16 : index
        %get3A_572 = tpu.vector_load %arg7[%get3A_570, %get3A_571] {strides = array<i32>} : memref<32x128xi32, #tpu.memory_space<vmem>>, vector<16xi32>,
        %get3A_573 = arith.index_cast %add3A_564 : i32 to index
        %get3A_574 = arith.constant 16 : index
        %get3A_575 = tpu.vector_load %arg18[%get3A_573, %get3A_574] {strides = array<i32>} : memref<32x128xi32, #tpu.memory_space<vmem>>, vector<16xi32>,
        tpu.vector_store_idx %arg9[%get3A_575], %get3A_572 : memref<1680xi32, #tpu.memory_space<vmem>>[vector<16xi32>], vector<16xi32>,
        %get3A_576 = arith.index_cast %add3A_564 : i32 to index
        %get3A_577 = arith.constant 32 : index
        %get3A_578 = tpu.vector_load %arg7[%get3A_576, %get3A_577] {strides = array<i32>} : memref<32x128xi32, #tpu.memory_space<vmem>>, vector<16xi32>,
        %get3A_579 = arith.index_cast %add3A_564 : i32 to index
        %get3A_580 = arith.constant 32 : index
        %get3A_581 = tpu.vector_load %arg18[%get3A_579, %get3A_580] {strides = array<i32>} : memref<32x128xi32, #tpu.memory_space<vmem>>, vector<16xi32>,
        tpu.vector_store_idx %arg9[%get3A_581], %get3A_578 : memref<1680xi32, #tpu.memory_space<vmem>>[vector<16xi32>], vector<16xi32>,
        %get3A_582 = arith.index_cast %add3A_564 : i32 to index
        %get3A_583 = arith.constant 48 : index
        %get3A_584 = tpu.vector_load %arg7[%get3A_582, %get3A_583] {strides = array<i32>} : memref<32x128xi32, #tpu.memory_space<vmem>>, vector<16xi32>,
        %get3A_585 = arith.index_cast %add3A_564 : i32 to index
        %get3A_586 = arith.constant 48 : index
        %get3A_587 = tpu.vector_load %arg18[%get3A_585, %get3A_586] {strides = array<i32>} : memref<32x128xi32, #tpu.memory_space<vmem>>, vector<16xi32>,
        tpu.vector_store_idx %arg9[%get3A_587], %get3A_584 : memref<1680xi32, #tpu.memory_space<vmem>>[vector<16xi32>], vector<16xi32>,
      }
      %scan3A_474 = arith.constant 32 : i32
      %dma_start3A_475 = arith.constant 0 : i32
      %dma_start3A_476 = tpu.memref_slice %arg9[%dma_start3A_475] : memref<1680xi32, #tpu.memory_space<vmem>> -> memref<416xi32, #tpu.memory_space<vmem>>
      %dma_start3A_477 = arith.constant 0 : i32
      %dma_start3A_478 = arith.constant 0 : i32
      %dma_start3A_479 = tpu.memref_slice %arg19[%dma_start3A_477, %dma_start3A_478] : memref<2016x32xf32, #tpu.memory_space<vmem_shared>> -> memref<2016x32xf32, #tpu.memory_space<vmem_shared>>
      tpu.enqueue_indirect_dma source(%dma_start3A_479 : memref<2016x32xf32, #tpu.memory_space<vmem_shared>>) target(%arg14 : memref<416x32xf32, #tpu.memory_space<vmem>>) offsets(%dma_start3A_476 : memref<416xi32, #tpu.memory_space<vmem>>) semaphore(%arg21 : memref<!tpu.dma_semaphore, #tpu.memory_space<semaphore_mem>>)
      %dma_start3A_480 = arith.constant 416 : i32
      %dma_start3A_481 = tpu.memref_slice %arg9[%dma_start3A_480] : memref<1680xi32, #tpu.memory_space<vmem>> -> memref<416xi32, #tpu.memory_space<vmem>>
      %dma_start3A_482 = arith.constant 0 : i32
      %dma_start3A_483 = arith.constant 0 : i32
      %dma_start3A_484 = tpu.memref_slice %arg19[%dma_start3A_482, %dma_start3A_483] : memref<2016x32xf32, #tpu.memory_space<vmem_shared>> -> memref<2016x32xf32, #tpu.memory_space<vmem_shared>>
      tpu.enqueue_indirect_dma source(%dma_start3A_484 : memref<2016x32xf32, #tpu.memory_space<vmem_shared>>) target(%arg15 : memref<416x32xf32, #tpu.memory_space<vmem>>) offsets(%dma_start3A_481 : memref<416xi32, #tpu.memory_space<vmem>>) semaphore(%arg21 : memref<!tpu.dma_semaphore, #tpu.memory_space<semaphore_mem>>)
      %dma_start3A_485 = arith.constant 832 : i32
      %dma_start3A_486 = tpu.memref_slice %arg9[%dma_start3A_485] : memref<1680xi32, #tpu.memory_space<vmem>> -> memref<416xi32, #tpu.memory_space<vmem>>
      %dma_start3A_487 = arith.constant 0 : i32
      %dma_start3A_488 = arith.constant 0 : i32
      %dma_start3A_489 = tpu.memref_slice %arg19[%dma_start3A_487, %dma_start3A_488] : memref<2016x32xf32, #tpu.memory_space<vmem_shared>> -> memref<2016x32xf32, #tpu.memory_space<vmem_shared>>
      tpu.enqueue_indirect_dma source(%dma_start3A_489 : memref<2016x32xf32, #tpu.memory_space<vmem_shared>>) target(%arg16 : memref<416x32xf32, #tpu.memory_space<vmem>>) offsets(%dma_start3A_486 : memref<416xi32, #tpu.memory_space<vmem>>) semaphore(%arg21 : memref<!tpu.dma_semaphore, #tpu.memory_space<semaphore_mem>>)
      %dma_start3A_490 = arith.constant 1248 : i32
      %dma_start3A_491 = tpu.memref_slice %arg9[%dma_start3A_490] : memref<1680xi32, #tpu.memory_space<vmem>> -> memref<416xi32, #tpu.memory_space<vmem>>
      %dma_start3A_492 = arith.constant 0 : i32
      %dma_start3A_493 = arith.constant 0 : i32
      %dma_start3A_494 = tpu.memref_slice %arg19[%dma_start3A_492, %dma_start3A_493] : memref<2016x32xf32, #tpu.memory_space<vmem_shared>> -> memref<2016x32xf32, #tpu.memory_space<vmem_shared>>
      tpu.enqueue_indirect_dma source(%dma_start3A_494 : memref<2016x32xf32, #tpu.memory_space<vmem_shared>>) target(%arg17 : memref<416x32xf32, #tpu.memory_space<vmem>>) offsets(%dma_start3A_491 : memref<416xi32, #tpu.memory_space<vmem>>) semaphore(%arg21 : memref<!tpu.dma_semaphore, #tpu.memory_space<semaphore_mem>>)
      %dma_wait3A_495 = arith.constant 0 : i32
      %dma_wait3A_496 = tpu.memref_slice %arg9[%dma_wait3A_495] : memref<1680xi32, #tpu.memory_space<vmem>> -> memref<416xi32, #tpu.memory_space<vmem>>
      %dma_wait3A_497 = arith.constant 0 : i32
      %dma_wait3A_498 = arith.constant 0 : i32
      %dma_wait3A_499 = tpu.memref_slice %arg19[%dma_wait3A_497, %dma_wait3A_498] : memref<2016x32xf32, #tpu.memory_space<vmem_shared>> -> memref<2016x32xf32, #tpu.memory_space<vmem_shared>>
      tpu.wait_indirect_dma semaphore(%arg21 : memref<!tpu.dma_semaphore, #tpu.memory_space<semaphore_mem>>) src(%dma_wait3A_499 : memref<2016x32xf32, #tpu.memory_space<vmem_shared>>) dst(%arg14 : memref<416x32xf32, #tpu.memory_space<vmem>>)
      %dma_wait3A_500 = arith.constant 416 : i32
      %dma_wait3A_501 = tpu.memref_slice %arg9[%dma_wait3A_500] : memref<1680xi32, #tpu.memory_space<vmem>> -> memref<416xi32, #tpu.memory_space<vmem>>
      %dma_wait3A_502 = arith.constant 0 : i32
      %dma_wait3A_503 = arith.constant 0 : i32
      %dma_wait3A_504 = tpu.memref_slice %arg19[%dma_wait3A_502, %dma_wait3A_503] : memref<2016x32xf32, #tpu.memory_space<vmem_shared>> -> memref<2016x32xf32, #tpu.memory_space<vmem_shared>>
      tpu.wait_indirect_dma semaphore(%arg21 : memref<!tpu.dma_semaphore, #tpu.memory_space<semaphore_mem>>) src(%dma_wait3A_504 : memref<2016x32xf32, #tpu.memory_space<vmem_shared>>) dst(%arg15 : memref<416x32xf32, #tpu.memory_space<vmem>>)
      %dma_wait3A_505 = arith.constant 832 : i32
      %dma_wait3A_506 = tpu.memref_slice %arg9[%dma_wait3A_505] : memref<1680xi32, #tpu.memory_space<vmem>> -> memref<416xi32, #tpu.memory_space<vmem>>
      %dma_wait3A_507 = arith.constant 0 : i32
      %dma_wait3A_508 = arith.constant 0 : i32
      %dma_wait3A_509 = tpu.memref_slice %arg19[%dma_wait3A_507, %dma_wait3A_508] : memref<2016x32xf32, #tpu.memory_space<vmem_shared>> -> memref<2016x32xf32, #tpu.memory_space<vmem_shared>>
      tpu.wait_indirect_dma semaphore(%arg21 : memref<!tpu.dma_semaphore, #tpu.memory_space<semaphore_mem>>) src(%dma_wait3A_509 : memref<2016x32xf32, #tpu.memory_space<vmem_shared>>) dst(%arg16 : memref<416x32xf32, #tpu.memory_space<vmem>>)
      %dma_wait3A_510 = arith.constant 1248 : i32
      %dma_wait3A_511 = tpu.memref_slice %arg9[%dma_wait3A_510] : memref<1680xi32, #tpu.memory_space<vmem>> -> memref<416xi32, #tpu.memory_space<vmem>>
      %dma_wait3A_512 = arith.constant 0 : i32
      %dma_wait3A_513 = arith.constant 0 : i32
      %dma_wait3A_514 = tpu.memref_slice %arg19[%dma_wait3A_512, %dma_wait3A_513] : memref<2016x32xf32, #tpu.memory_space<vmem_shared>> -> memref<2016x32xf32, #tpu.memory_space<vmem_shared>>
      tpu.wait_indirect_dma semaphore(%arg21 : memref<!tpu.dma_semaphore, #tpu.memory_space<semaphore_mem>>) src(%dma_wait3A_514 : memref<2016x32xf32, #tpu.memory_space<vmem_shared>>) dst(%arg17 : memref<416x32xf32, #tpu.memory_space<vmem>>)
      %mul3A_515 = arith.constant 1664 : i32
      %mul3A_516 = arith.muli %add3A_419, %mul3A_515 : i32
      %add3A_517 = arith.addi %mul3A_4, %mul3A_516 : i32
      %mul3A_518 = arith.constant 32 : i32
      %mul3A_519 = arith.muli %add3A_517, %mul3A_518 : i32
      %jit3A_520 = arith.constant 128 : i32
      %div3A_521 = arith.divsi %mul3A_519, %jit3A_520 : i32
      %sign3A_522 = arith.constant 0 : i32
      %sign3A_523 = arith.cmpi sgt, %mul3A_519, %sign3A_522 : i32
      %sign3A_524 = arith.extui %sign3A_523 : i1 to i32
      %sign3A_525 = arith.constant 0 : i32
      %sign3A_526 = arith.cmpi slt, %mul3A_519, %sign3A_525 : i32
      %sign3A_527 = arith.extui %sign3A_526 : i1 to i32
      %sign3A_528 = arith.subi %sign3A_524, %sign3A_527 : i32
      %sign3A_529 = arith.constant 0 : i32
      %sign3A_530 = arith.cmpi sgt, %jit3A_520, %sign3A_529 : i32
      %sign3A_531 = arith.extui %sign3A_530 : i1 to i32
      %sign3A_532 = arith.constant 0 : i32
      %sign3A_533 = arith.cmpi slt, %jit3A_520, %sign3A_532 : i32
      %sign3A_534 = arith.extui %sign3A_533 : i1 to i32
      %sign3A_535 = arith.subi %sign3A_531, %sign3A_534 : i32
      %ne3A_536 = arith.cmpi ne, %sign3A_528, %sign3A_535 : i32
      %rem3A_537 = arith.remsi %mul3A_519, %jit3A_520 : i32
      %ne3A_538 = arith.constant 0 : i32
      %ne3A_539 = arith.cmpi ne, %rem3A_537, %ne3A_538 : i32
      %and3A_540 = arith.andi %ne3A_536, %ne3A_539 : i1
      %sub3A_541 = arith.constant 1 : i32
      %sub3A_542 = arith.subi %div3A_521, %sub3A_541 : i32
      %select_n3A_543 = arith.select %and3A_540, %sub3A_542, %div3A_521 : i32
      %dma_start3A_544 = arith.constant 0 : i32
      %dma_start3A_545 = tpu.memref_slice %arg5[%select_n3A_543, %dma_start3A_544] : memref<212992x128xf32, #tpu.memory_space<hbm>> -> memref<416x32xf32, #tpu.memory_space<hbm>>
      %dma_start3A_546 = arith.constant 0 : i32
      %dma_start3A_547 = tpu.memref_slice %arg5[%select_n3A_543, %dma_start3A_546] : memref<212992x128xf32, #tpu.memory_space<hbm>> -> memref<416x32xf32, #tpu.memory_space<hbm>>
      tpu.enqueue_dma source(%arg14 : memref<416x32xf32, #tpu.memory_space<vmem>>) target(%dma_start3A_547 : memref<416x32xf32, #tpu.memory_space<hbm>>) target_semaphore(%arg23 : memref<!tpu.dma_semaphore, #tpu.memory_space<semaphore_mem>>)
      %dma_start3A_548 = arith.constant 32 : i32
      %dma_start3A_549 = tpu.memref_slice %arg5[%select_n3A_543, %dma_start3A_548] : memref<212992x128xf32, #tpu.memory_space<hbm>> -> memref<416x32xf32, #tpu.memory_space<hbm>>
      %dma_start3A_550 = arith.constant 32 : i32
      %dma_start3A_551 = tpu.memref_slice %arg5[%select_n3A_543, %dma_start3A_550] : memref<212992x128xf32, #tpu.memory_space<hbm>> -> memref<416x32xf32, #tpu.memory_space<hbm>>
      tpu.enqueue_dma source(%arg15 : memref<416x32xf32, #tpu.memory_space<vmem>>) target(%dma_start3A_551 : memref<416x32xf32, #tpu.memory_space<hbm>>) target_semaphore(%arg23 : memref<!tpu.dma_semaphore, #tpu.memory_space<semaphore_mem>>)
      %dma_start3A_552 = arith.constant 64 : i32
      %dma_start3A_553 = tpu.memref_slice %arg5[%select_n3A_543, %dma_start3A_552] : memref<212992x128xf32, #tpu.memory_space<hbm>> -> memref<416x32xf32, #tpu.memory_space<hbm>>
      %dma_start3A_554 = arith.constant 64 : i32
      %dma_start3A_555 = tpu.memref_slice %arg5[%select_n3A_543, %dma_start3A_554] : memref<212992x128xf32, #tpu.memory_space<hbm>> -> memref<416x32xf32, #tpu.memory_space<hbm>>
      tpu.enqueue_dma source(%arg16 : memref<416x32xf32, #tpu.memory_space<vmem>>) target(%dma_start3A_555 : memref<416x32xf32, #tpu.memory_space<hbm>>) target_semaphore(%arg23 : memref<!tpu.dma_semaphore, #tpu.memory_space<semaphore_mem>>)
      %dma_start3A_556 = arith.constant 96 : i32
      %dma_start3A_557 = tpu.memref_slice %arg5[%select_n3A_543, %dma_start3A_556] : memref<212992x128xf32, #tpu.memory_space<hbm>> -> memref<416x32xf32, #tpu.memory_space<hbm>>
      %dma_start3A_558 = arith.constant 96 : i32
      %dma_start3A_559 = tpu.memref_slice %arg5[%select_n3A_543, %dma_start3A_558] : memref<212992x128xf32, #tpu.memory_space<hbm>> -> memref<416x32xf32, #tpu.memory_space<hbm>>
      tpu.enqueue_dma source(%arg17 : memref<416x32xf32, #tpu.memory_space<vmem>>) target(%dma_start3A_559 : memref<416x32xf32, #tpu.memory_space<hbm>>) target_semaphore(%arg23 : memref<!tpu.dma_semaphore, #tpu.memory_space<semaphore_mem>>)
    }
    %scan3A_182 = arith.constant 7 : i32
    %add3A_183 = arith.constant 23296 : i32
    %add3A_184 = arith.addi %mul3A_4, %add3A_183 : i32
    %mul3A_185 = arith.constant 32 : i32
    %mul3A_186 = arith.muli %add3A_184, %mul3A_185 : i32
    %jit3A_187 = arith.constant 128 : i32
    %div3A_188 = arith.divsi %mul3A_186, %jit3A_187 : i32
    %sign3A_189 = arith.constant 0 : i32
    %sign3A_190 = arith.cmpi sgt, %mul3A_186, %sign3A_189 : i32
    %sign3A_191 = arith.extui %sign3A_190 : i1 to i32
    %sign3A_192 = arith.constant 0 : i32
    %sign3A_193 = arith.cmpi slt, %mul3A_186, %sign3A_192 : i32
    %sign3A_194 = arith.extui %sign3A_193 : i1 to i32
    %sign3A_195 = arith.subi %sign3A_191, %sign3A_194 : i32
    %sign3A_196 = arith.constant 0 : i32
    %sign3A_197 = arith.cmpi sgt, %jit3A_187, %sign3A_196 : i32
    %sign3A_198 = arith.extui %sign3A_197 : i1 to i32
    %sign3A_199 = arith.constant 0 : i32
    %sign3A_200 = arith.cmpi slt, %jit3A_187, %sign3A_199 : i32
    %sign3A_201 = arith.extui %sign3A_200 : i1 to i32
    %sign3A_202 = arith.subi %sign3A_198, %sign3A_201 : i32
    %ne3A_203 = arith.cmpi ne, %sign3A_195, %sign3A_202 : i32
    %rem3A_204 = arith.remsi %mul3A_186, %jit3A_187 : i32
    %ne3A_205 = arith.constant 0 : i32
    %ne3A_206 = arith.cmpi ne, %rem3A_204, %ne3A_205 : i32
    %and3A_207 = arith.andi %ne3A_203, %ne3A_206 : i1
    %sub3A_208 = arith.constant 1 : i32
    %sub3A_209 = arith.subi %div3A_188, %sub3A_208 : i32
    %select_n3A_210 = arith.select %and3A_207, %sub3A_209, %div3A_188 : i32
    %dma_wait3A_211 = arith.constant 0 : i32
    %dma_wait3A_212 = tpu.memref_slice %arg5[%select_n3A_210, %dma_wait3A_211] : memref<212992x128xf32, #tpu.memory_space<hbm>> -> memref<416x32xf32, #tpu.memory_space<hbm>>
    %dma_wait3A_213 = arith.constant 0 : i32
    %dma_wait3A_214 = tpu.memref_slice %arg5[%select_n3A_210, %dma_wait3A_213] : memref<212992x128xf32, #tpu.memory_space<hbm>> -> memref<416x32xf32, #tpu.memory_space<hbm>>
    tpu.wait_dma2 semaphore(%arg22 : memref<!tpu.dma_semaphore, #tpu.memory_space<semaphore_mem>>) src(%arg10 : memref<416x32xf32, #tpu.memory_space<vmem>>) dst(%dma_wait3A_214 : memref<416x32xf32, #tpu.memory_space<hbm>>)
    %dma_wait3A_215 = arith.constant 32 : i32
    %dma_wait3A_216 = tpu.memref_slice %arg5[%select_n3A_210, %dma_wait3A_215] : memref<212992x128xf32, #tpu.memory_space<hbm>> -> memref<416x32xf32, #tpu.memory_space<hbm>>
    %dma_wait3A_217 = arith.constant 32 : i32
    %dma_wait3A_218 = tpu.memref_slice %arg5[%select_n3A_210, %dma_wait3A_217] : memref<212992x128xf32, #tpu.memory_space<hbm>> -> memref<416x32xf32, #tpu.memory_space<hbm>>
    tpu.wait_dma2 semaphore(%arg22 : memref<!tpu.dma_semaphore, #tpu.memory_space<semaphore_mem>>) src(%arg11 : memref<416x32xf32, #tpu.memory_space<vmem>>) dst(%dma_wait3A_218 : memref<416x32xf32, #tpu.memory_space<hbm>>)
    %dma_wait3A_219 = arith.constant 64 : i32
    %dma_wait3A_220 = tpu.memref_slice %arg5[%select_n3A_210, %dma_wait3A_219] : memref<212992x128xf32, #tpu.memory_space<hbm>> -> memref<416x32xf32, #tpu.memory_space<hbm>>
    %dma_wait3A_221 = arith.constant 64 : i32
    %dma_wait3A_222 = tpu.memref_slice %arg5[%select_n3A_210, %dma_wait3A_221] : memref<212992x128xf32, #tpu.memory_space<hbm>> -> memref<416x32xf32, #tpu.memory_space<hbm>>
    tpu.wait_dma2 semaphore(%arg22 : memref<!tpu.dma_semaphore, #tpu.memory_space<semaphore_mem>>) src(%arg12 : memref<416x32xf32, #tpu.memory_space<vmem>>) dst(%dma_wait3A_222 : memref<416x32xf32, #tpu.memory_space<hbm>>)
    %dma_wait3A_223 = arith.constant 96 : i32
    %dma_wait3A_224 = tpu.memref_slice %arg5[%select_n3A_210, %dma_wait3A_223] : memref<212992x128xf32, #tpu.memory_space<hbm>> -> memref<416x32xf32, #tpu.memory_space<hbm>>
    %dma_wait3A_225 = arith.constant 96 : i32
    %dma_wait3A_226 = tpu.memref_slice %arg5[%select_n3A_210, %dma_wait3A_225] : memref<212992x128xf32, #tpu.memory_space<hbm>> -> memref<416x32xf32, #tpu.memory_space<hbm>>
    tpu.wait_dma2 semaphore(%arg22 : memref<!tpu.dma_semaphore, #tpu.memory_space<semaphore_mem>>) src(%arg13 : memref<416x32xf32, #tpu.memory_space<vmem>>) dst(%dma_wait3A_226 : memref<416x32xf32, #tpu.memory_space<hbm>>)
    %add3A_227 = arith.constant 24960 : i32
    %add3A_228 = arith.addi %mul3A_4, %add3A_227 : i32
    %mul3A_229 = arith.constant 32 : i32
    %mul3A_230 = arith.muli %add3A_228, %mul3A_229 : i32
    %jit3A_231 = arith.constant 128 : i32
    %div3A_232 = arith.divsi %mul3A_230, %jit3A_231 : i32
    %sign3A_233 = arith.constant 0 : i32
    %sign3A_234 = arith.cmpi sgt, %mul3A_230, %sign3A_233 : i32
    %sign3A_235 = arith.extui %sign3A_234 : i1 to i32
    %sign3A_236 = arith.constant 0 : i32
    %sign3A_237 = arith.cmpi slt, %mul3A_230, %sign3A_236 : i32
    %sign3A_238 = arith.extui %sign3A_237 : i1 to i32
    %sign3A_239 = arith.subi %sign3A_235, %sign3A_238 : i32
    %sign3A_240 = arith.constant 0 : i32
    %sign3A_241 = arith.cmpi sgt, %jit3A_231, %sign3A_240 : i32
    %sign3A_242 = arith.extui %sign3A_241 : i1 to i32
    %sign3A_243 = arith.constant 0 : i32
    %sign3A_244 = arith.cmpi slt, %jit3A_231, %sign3A_243 : i32
    %sign3A_245 = arith.extui %sign3A_244 : i1 to i32
    %sign3A_246 = arith.subi %sign3A_242, %sign3A_245 : i32
    %ne3A_247 = arith.cmpi ne, %sign3A_239, %sign3A_246 : i32
    %rem3A_248 = arith.remsi %mul3A_230, %jit3A_231 : i32
    %ne3A_249 = arith.constant 0 : i32
    %ne3A_250 = arith.cmpi ne, %rem3A_248, %ne3A_249 : i32
    %and3A_251 = arith.andi %ne3A_247, %ne3A_250 : i1
    %sub3A_252 = arith.constant 1 : i32
    %sub3A_253 = arith.subi %div3A_232, %sub3A_252 : i32
    %select_n3A_254 = arith.select %and3A_251, %sub3A_253, %div3A_232 : i32
    %dma_wait3A_255 = arith.constant 0 : i32
    %dma_wait3A_256 = tpu.memref_slice %arg5[%select_n3A_254, %dma_wait3A_255] : memref<212992x128xf32, #tpu.memory_space<hbm>> -> memref<416x32xf32, #tpu.memory_space<hbm>>
    %dma_wait3A_257 = arith.constant 0 : i32
    %dma_wait3A_258 = tpu.memref_slice %arg5[%select_n3A_254, %dma_wait3A_257] : memref<212992x128xf32, #tpu.memory_space<hbm>> -> memref<416x32xf32, #tpu.memory_space<hbm>>
    tpu.wait_dma2 semaphore(%arg23 : memref<!tpu.dma_semaphore, #tpu.memory_space<semaphore_mem>>) src(%arg14 : memref<416x32xf32, #tpu.memory_space<vmem>>) dst(%dma_wait3A_258 : memref<416x32xf32, #tpu.memory_space<hbm>>)
    %dma_wait3A_259 = arith.constant 32 : i32
    %dma_wait3A_260 = tpu.memref_slice %arg5[%select_n3A_254, %dma_wait3A_259] : memref<212992x128xf32, #tpu.memory_space<hbm>> -> memref<416x32xf32, #tpu.memory_space<hbm>>
    %dma_wait3A_261 = arith.constant 32 : i32
    %dma_wait3A_262 = tpu.memref_slice %arg5[%select_n3A_254, %dma_wait3A_261] : memref<212992x128xf32, #tpu.memory_space<hbm>> -> memref<416x32xf32, #tpu.memory_space<hbm>>
    tpu.wait_dma2 semaphore(%arg23 : memref<!tpu.dma_semaphore, #tpu.memory_space<semaphore_mem>>) src(%arg15 : memref<416x32xf32, #tpu.memory_space<vmem>>) dst(%dma_wait3A_262 : memref<416x32xf32, #tpu.memory_space<hbm>>)
    %dma_wait3A_263 = arith.constant 64 : i32
    %dma_wait3A_264 = tpu.memref_slice %arg5[%select_n3A_254, %dma_wait3A_263] : memref<212992x128xf32, #tpu.memory_space<hbm>> -> memref<416x32xf32, #tpu.memory_space<hbm>>
    %dma_wait3A_265 = arith.constant 64 : i32
    %dma_wait3A_266 = tpu.memref_slice %arg5[%select_n3A_254, %dma_wait3A_265] : memref<212992x128xf32, #tpu.memory_space<hbm>> -> memref<416x32xf32, #tpu.memory_space<hbm>>
    tpu.wait_dma2 semaphore(%arg23 : memref<!tpu.dma_semaphore, #tpu.memory_space<semaphore_mem>>) src(%arg16 : memref<416x32xf32, #tpu.memory_space<vmem>>) dst(%dma_wait3A_266 : memref<416x32xf32, #tpu.memory_space<hbm>>)
    %dma_wait3A_267 = arith.constant 96 : i32
    %dma_wait3A_268 = tpu.memref_slice %arg5[%select_n3A_254, %dma_wait3A_267] : memref<212992x128xf32, #tpu.memory_space<hbm>> -> memref<416x32xf32, #tpu.memory_space<hbm>>
    %dma_wait3A_269 = arith.constant 96 : i32
    %dma_wait3A_270 = tpu.memref_slice %arg5[%select_n3A_254, %dma_wait3A_269] : memref<212992x128xf32, #tpu.memory_space<hbm>> -> memref<416x32xf32, #tpu.memory_space<hbm>>
    tpu.wait_dma2 semaphore(%arg23 : memref<!tpu.dma_semaphore, #tpu.memory_space<semaphore_mem>>) src(%arg17 : memref<416x32xf32, #tpu.memory_space<vmem>>) dst(%dma_wait3A_270 : memref<416x32xf32, #tpu.memory_space<hbm>>)
    return
  }
}

module attributes {stable_mosaic.version = 14 : i64} {
  func.func @body(%arg0: i32, %arg1: memref<13312x128xf32, #tpu.memory_space<vmem>>, %arg2: memref<1664x256xbf16, #tpu.memory_space<vmem>>, %arg3: memref<1x256xf32, #tpu.memory_space<vmem>>, %arg4: memref<256x10xf32, #tpu.memory_space<vmem>>, %arg5: memref<1x10xf32, #tpu.memory_space<vmem>>, %arg6: memref<1024x10xf32, #tpu.memory_space<vmem>>) attributes {dimension_semantics = [#tpu.dimension_semantics<arbitrary>], iteration_bounds = array<i64: 16>, scalar_prefetch = 0 : i64, scratch_operands = 0 : i64, tpu.core_type = #tpu.core_type<tc>, window_params = [{transform_indices = @transform_0, window_bounds = array<i64: 13312, 128>}, {pipeline_mode = #tpu.pipeline_mode<synchronous>, transform_indices = @transform_1, window_bounds = array<i64: 1664, 256>}, {pipeline_mode = #tpu.pipeline_mode<synchronous>, transform_indices = @transform_2, window_bounds = array<i64: 1, 256>}, {pipeline_mode = #tpu.pipeline_mode<synchronous>, transform_indices = @transform_3, window_bounds = array<i64: 256, 10>}, {pipeline_mode = #tpu.pipeline_mode<synchronous>, transform_indices = @transform_4, window_bounds = array<i64: 1, 10>}, {transform_indices = @transform_5, window_bounds = array<i64: 1024, 10>}]} {
    %get3A = arith.constant 0 : index
    %get3A_0 = arith.constant 0 : index
    %get3A_1 = vector.load %arg1[%get3A, %get3A_0] : memref<13312x128xf32, #tpu.memory_space<vmem>>, vector<13312x128xf32>
    %reshape3A = vector.shape_cast %get3A_1 : vector<13312x128xf32> to vector<1024x1664xf32>
    %convert_element_type3A = arith.truncf %reshape3A : vector<1024x1664xf32> to vector<1024x1664xbf16>
    %get3A_2 = arith.constant 0 : index
    %get3A_3 = arith.constant 0 : index
    %get3A_4 = vector.load %arg2[%get3A_2, %get3A_3] : memref<1664x256xbf16, #tpu.memory_space<vmem>>, vector<1664x256xbf16>
    %dot_general3A = arith.constant dense<0.000000e+00> : vector<1024x256xf32>
    %dot_general3A_5 = tpu.matmul %convert_element_type3A, %get3A_4, %dot_general3A {dimension_numbers = #tpu.dot_dimension_numbers<[1], [0], [0], [1], [0, 0, 1, 1], [], []>, transpose_lhs_hint = false} : vector<1024x1664xbf16>, vector<1664x256xbf16>, vector<1024x256xf32> -> vector<1024x256xf32>
    %get3A_6 = arith.constant 0 : index
    %get3A_7 = arith.constant 0 : index
    %get3A_8 = vector.load %arg3[%get3A_6, %get3A_7] : memref<1x256xf32, #tpu.memory_space<vmem>>, vector<1x256xf32>
    %add3A = vector.broadcast %get3A_8 : vector<1x256xf32> to vector<1024x256xf32>
    %add3A_9 = arith.addf %dot_general3A_5, %add3A : vector<1024x256xf32>
    %max3A = arith.constant 0.000000e+00 : f32
    %max3A_10 = vector.broadcast %max3A : f32 to vector<1024x256xf32>
    %max3A_11 = arith.maximumf %add3A_9, %max3A_10 : vector<1024x256xf32>
    %get3A_12 = arith.constant 0 : index
    %get3A_13 = arith.constant 0 : index
    %get3A_14 = vector.load %arg4[%get3A_12, %get3A_13] : memref<256x10xf32, #tpu.memory_space<vmem>>, vector<256x10xf32>
    %dot_general3A_15 = arith.constant dense<0.000000e+00> : vector<1024x10xf32>
    %dot_general3A_16 = tpu.matmul %max3A_11, %get3A_14, %dot_general3A_15 {dimension_numbers = #tpu.dot_dimension_numbers<[1], [0], [0], [1], [0, 0, 1, 1], [], []>, transpose_lhs_hint = false} : vector<1024x256xf32>, vector<256x10xf32>, vector<1024x10xf32> -> vector<1024x10xf32>
    %get3A_17 = arith.constant 0 : index
    %get3A_18 = arith.constant 0 : index
    %get3A_19 = vector.load %arg5[%get3A_17, %get3A_18] : memref<1x10xf32, #tpu.memory_space<vmem>>, vector<1x10xf32>
    %add3A_20 = vector.broadcast %get3A_19 : vector<1x10xf32> to vector<1024x10xf32>
    %add3A_21 = arith.addf %dot_general3A_16, %add3A_20 : vector<1024x10xf32>
    %reduce_max3A = arith.constant dense<0xFF800000> : vector<1024xf32>
    %reduce_max3A_22 = vector.multi_reduction <maximumf>, %add3A_21, %reduce_max3A [1] : vector<1024x10xf32> to vector<1024xf32>
    %broadcast_in_dim3A = vector.shape_cast %reduce_max3A_22 : vector<1024xf32> to vector<1024x1xf32>
    %sub3A = vector.broadcast %broadcast_in_dim3A : vector<1024x1xf32> to vector<1024x10xf32>
    %sub3A_23 = arith.subf %add3A_21, %sub3A : vector<1024x10xf32>
    %exp3A = math.exp %sub3A_23 : vector<1024x10xf32>
    %reduce_sum3A = arith.constant dense<0.000000e+00> : vector<1024xf32>
    %reduce_sum3A_24 = vector.multi_reduction <add>, %exp3A, %reduce_sum3A [1] : vector<1024x10xf32> to vector<1024xf32>
    %broadcast_in_dim3A_25 = vector.shape_cast %reduce_sum3A_24 : vector<1024xf32> to vector<1024x1xf32>
    %div3A = vector.broadcast %broadcast_in_dim3A_25 : vector<1024x1xf32> to vector<1024x10xf32>
    %div3A_26 = arith.divf %exp3A, %div3A : vector<1024x10xf32>
    %swap3A = arith.constant 0 : index
    %swap3A_27 = arith.constant 0 : index
    %swap3A_28 = vector.load %arg6[%swap3A, %swap3A_27] : memref<1024x10xf32, #tpu.memory_space<vmem>>, vector<1024x10xf32>
    tpu.vector_store %arg6[%swap3A, %swap3A_27], %div3A_26 {strides = array<i32>} : memref<1024x10xf32, #tpu.memory_space<vmem>>, vector<1024x10xf32>,
    return
  }
  func.func @transform_0(%arg0: i32) -> (i32, i32) {
    %c0_i32 = arith.constant 0 : i32
    %c0_i32_0 = arith.constant 0 : i32
    return %arg0, %c0_i32 : i32, i32
  }
  func.func @transform_1(%arg0: i32) -> (i32, i32) {
    %c0_i32 = arith.constant 0 : i32
    %c0_i32_0 = arith.constant 0 : i32
    %c0_i32_1 = arith.constant 0 : i32
    return %c0_i32, %c0_i32_0 : i32, i32
  }
  func.func @transform_2(%arg0: i32) -> (i32, i32) {
    %c0_i32 = arith.constant 0 : i32
    %c0_i32_0 = arith.constant 0 : i32
    %c0_i32_1 = arith.constant 0 : i32
    return %c0_i32, %c0_i32_0 : i32, i32
  }
  func.func @transform_3(%arg0: i32) -> (i32, i32) {
    %c0_i32 = arith.constant 0 : i32
    %c0_i32_0 = arith.constant 0 : i32
    %c0_i32_1 = arith.constant 0 : i32
    return %c0_i32, %c0_i32_0 : i32, i32
  }
  func.func @transform_4(%arg0: i32) -> (i32, i32) {
    %c0_i32 = arith.constant 0 : i32
    %c0_i32_0 = arith.constant 0 : i32
    %c0_i32_1 = arith.constant 0 : i32
    return %c0_i32, %c0_i32_0 : i32, i32
  }
  func.func @transform_5(%arg0: i32) -> (i32, i32) {
    %c0_i32 = arith.constant 0 : i32
    %c0_i32_0 = arith.constant 0 : i32
    return %arg0, %c0_i32 : i32, i32
  }
}

</mosaic_0001>

<sc_bundles>
// kernel: kernel.4.cloned.1.call-start
scs
__scs_entry_jumppad:
0x0: {  	(pc) =	sbr.rel $0x88, $3  }
0x1: {  	(tag) =	ssettag $0x0;
	lr =	simm.s32 $0x1  }
0x2: {  	[smem:$0x3F9B] =	sst lr;
	_ =	strace $0xD0000000  }
0x3: {  	_ = 	snop  }
0x4: {  	_ = 	snop  }
0x5: {  	_ = 	snop  }
0x6: {  	_ = 	snop  }
0x7: {  	_ = 	snop  }
__scs_overlays_trampoline_lowered:
0x8: {  	[smem:$0x3FAA] =	sst s0  }
0x9: {  	[smem:$0x3FAB] =	sst s1  }
0xa: {  	[smem:$0x3FAC] =	sst s2  }
0xb: {  	[smem:$0x3FAD] =	sst s3  }
0xc: {  	[smem:$0x3FAE] =	sst s4  }
0xd: {  	[smem:$0x3FAF] =	sst s5  }
0xe: {  	[smem:$0x3FB0] =	sst s6  }
0xf: {  	[smem:$0x3FB1] =	sst s7  }
0x10: {  	[smem:$0x3FB2] =	sst s8  }
0x11: {  	[smem:$0x3FB3] =	sst s9;
	s0 =	simm.s32 @!p0 $0x0  }
0x12: {  	s1 =	sld [smem:$0x3F99];
	s0 =	simm.s32 @p0 $0x1  }
0x13: {  	[smem:$0x3FB4] =	sst s0;
	s0 =	simm.s32 @!p1 $0x0  }
0x14: {  	s2 =	sld [smem:$0x3F98];
	s0 =	simm.s32 @p1 $0x1  }
0x15: {  	[smem:$0x3FB5] =	sst s0;
	s0 =	simm.s32 @!p2 $0x0  }
0x16: {  	s3 =	sld [smem:$0x3FDB];
	s0 =	simm.s32 @p2 $0x1  }
0x17: {  	s4 =	simm.s32 $0x1BF5;
	[smem:$0x3FB7] =	sst s0  }
0x18: {  	s0 =	sld [smem:$0x3F9A];
	_ =	swait.ge [sflag:s4], $0x0  }
0x19: {  	s7 =	sld [smem:$0x3F9B]  }
0x1a: {  	s8 =	sadd.s32 $0xFFFFE003, lr  }
0x1b: {  	s9 =	sadd.s32 $0xFFFFFEF7, lr;
	s5 =	simm.s32 $0xFFFFFFFF;
	p2 =	slt.u32 s8, $0xFFFFF086  }
0x1c: {  	p1 =	slt.u32 s9, $0xF7A;
	s5 =	simm.s32 @!p2 $0x0  }
0x1d: {  	s5 =	simm.s32 @p1 $0x1;
	p0 =	seq.s32 s7, s2  }
0x1e: {  	s7 =	smul.u32 @!p0 $0xF7A, s2;
	p2 =	seq.s32 @!p0 s5, $0x0  }
0x1f: {  	s9 =	smul.u32 $0xF7A, s1;
	s8 =	simm.s32 @!p0 $0x1BF5;
	p2 =	por !p2, p0  }
0x20: {  	[sflag:s8] =	ssyncset.s32 @!p0 $0xFFFFF086;
	s6 =	sadd.s32 @!p0 s3, s7;
	s7 =	simm.s32 @!p0 $0x108  }
0x21: {  	s3 =	sadd.s32 s3, s9;
	s6 =	sadd.s32 @!p0 $0x88, s6;
	s7 =	simm.s32 @p2 $0x1082  }
0x22: {  	[simem:s7], [sflag:s8] =	dma.local @!p0 [hbm:s6], $0xF7A  }
0x23: {  	s9 =	sor.u32 $0xD0000000, s2;
	s6 =	simm.s32 $0x108;
	_ =	swait.ge @!p0 [sflag:s8], $0x0  }
0x24: {  	s3 =	sadd.s32 $0x88, s3;
	s6 =	simm.s32 @!p1 $0x1082;
	[sflag:s4] =	ssyncset.s32 $0xFFFFF086  }
0x25: {  	[simem:s6], [sflag:s4] =	dma.local [hbm:s3], $0xF7A  }
0x26: {  	[smem:$0x3F9B] =	sst s1;
	(tag) =	ssettag s2;
	_ =	strace s9  }
0x27: {  	s1 =	sld [smem:$0x3FAB]  }
0x28: {  	s2 =	sld [smem:$0x3FAC]  }
0x29: {  	s4 =	sld [smem:$0x3FAE]  }
0x2a: {  	p0 =	seq.s32 s5, $0x0;
	s5 =	sld [smem:$0x3FAF]  }
0x2b: {  	s6 =	sld [smem:$0x3FB0]  }
0x2c: {  	s7 =	sld [smem:$0x3FB1]  }
0x2d: {  	s3 =	simm.s32 $0x108;
	s8 =	sld [smem:$0x3FB2]  }
0x2e: {  	s3 =	simm.s32 @!p0 $0x1082;
	s9 =	sld [smem:$0x3FB3]  }
0x2f: {  	lr =	sadd.s32 s0, s3;
	s0 =	sld [smem:$0x3FAA]  }
0x30: {  	s3 =	sld [smem:$0x3FAD]  }
0x31: {  	[smem:$0x3FB6] =	sst s10  }
0x32: {  	s10 =	sld [smem:$0x3FB4];
	_ =	sdelay $0x3  }
0x33: {  	p0 =	seq.s32 s10, $0x1;
	s10 =	sld [smem:$0x3FB6];
	_ =	sdelay $0x3  }
0x34: {  	[smem:$0x3FB6] =	sst s10  }
0x35: {  	s10 =	sld [smem:$0x3FB5];
	_ =	sdelay $0x3  }
0x36: {  	p1 =	seq.s32 s10, $0x1;
	s10 =	sld [smem:$0x3FB6];
	_ =	sdelay $0x3  }
0x37: {  	[smem:$0x3FB6] =	sst s10  }
0x38: {  	s10 =	sld [smem:$0x3FB7]  }
0x39: {  	_ = 	snop;
	(pc) =	sbr.ind lr, $3  }
0x3a: {  	_ = 	snop  }
0x3b: {  	_ = 	snop  }
0x3c: {  	p2 =	seq.s32 s10, $0x1;
	s10 =	sld [smem:$0x3FB6]  }
0x3d: {  	_ =	shalt  }
0x3e: {  	_ =	shalt  }
0x3f: {  	_ =	shalt  }
0x40: {  	_ =	shalt  }
0x41: {  	_ =	shalt  }
0x42: {  	_ =	shalt  }
0x43: {  	_ =	shalt  }
0x44: {  	_ =	shalt  }
0x45: {  	_ =	shalt  }
0x46: {  	_ =	shalt  }
0x47: {  	_ =	shalt  }
0x48: {  	_ =	shalt  }
0x49: {  	_ =	shalt  }
0x4a: {  	_ =	shalt  }
0x4b: {  	_ =	shalt  }
0x4c: {  	_ =	shalt  }
0x4d: {  	_ =	shalt  }
0x4e: {  	_ =	shalt  }
0x4f: {  	_ =	shalt  }
0x50: {  	_ =	shalt  }
0x51: {  	_ =	shalt  }
0x52: {  	_ =	shalt  }
0x53: {  	_ =	shalt  }
0x54: {  	_ =	shalt  }
0x55: {  	_ =	shalt  }
0x56: {  	_ =	shalt  }
0x57: {  	_ =	shalt  }
0x58: {  	_ =	shalt  }
0x59: {  	_ =	shalt  }
0x5a: {  	_ =	shalt  }
0x5b: {  	_ =	shalt  }
0x5c: {  	_ =	shalt  }
0x5d: {  	_ =	shalt  }
0x5e: {  	_ =	shalt  }
0x5f: {  	_ =	shalt  }
0x60: {  	_ =	shalt  }
0x61: {  	_ =	shalt  }
0x62: {  	_ =	shalt  }
0x63: {  	_ =	shalt  }
0x64: {  	_ =	shalt  }
0x65: {  	_ =	shalt  }
0x66: {  	_ =	shalt  }
0x67: {  	_ =	shalt  }
0x68: {  	_ =	shalt  }
0x69: {  	_ =	shalt  }
0x6a: {  	_ =	shalt  }
0x6b: {  	_ =	shalt  }
0x6c: {  	_ =	shalt  }
0x6d: {  	_ =	shalt  }
0x6e: {  	_ =	shalt  }
0x6f: {  	_ =	shalt  }
0x70: {  	_ =	shalt  }
0x71: {  	_ =	shalt  }
0x72: {  	_ =	shalt  }
0x73: {  	_ =	shalt  }
0x74: {  	_ =	shalt  }
0x75: {  	_ =	shalt  }
0x76: {  	_ =	shalt  }
0x77: {  	_ =	shalt  }
0x78: {  	_ =	shalt  }
0x79: {  	_ =	shalt  }
0x7a: {  	_ =	shalt  }
0x7b: {  	_ =	shalt  }
0x7c: {  	_ =	shalt  }
0x7d: {  	_ =	shalt  }
0x7e: {  	_ =	shalt  }
0x7f: {  	_ =	shalt  }
0x80: {  	_ =	shalt  }
0x81: {  	_ =	shalt  }
0x82: {  	_ =	shalt  }
0x83: {  	_ =	shalt  }
0x84: {  	_ =	shalt  }
0x85: {  	_ =	shalt  }
0x86: {  	_ =	shalt  }
0x87: {  	_ =	shalt  }
.Lfunc_end0:
.L_simem_size_0:
called_computation_lowered:
.L_overlay_start_0:
0x88: {  	s2 =	sld [smem:$0x3FD9]  }
0x89: {  	s3 =	sld [smem:$0x3FFE];
	_ =	sdelay $0x1  }
0x8a: {  	s1 =	srdreg.scid  }
0x8b: {  	s0 =	sand.u32 $0x1, s1  }
0x8c: {  	s17 =	sshll.u32 s0, $0xA;
	s2 =	sadd.s32 s3, s2  }
0x8d: {  	s2 =	sadd.s32 s2, s17  }
0x8e: {  	[smem:$0x3FC2] =	sst s2  }
0x8f: {  	_ = 	snop  }
0x90: {  	s2 =	sld [smem:$0x3FD0];
	(tm) =	ssettm $0x1  }
0x91: {  	s18 =	sld [smem:$0x3FFB];
	_ =	sdelay $0x3  }
0x92: {  	_ =	strace s18  }
0x93: {  	s3 =	sld [smem:$0x3FFC];
	_ =	sdelay $0x3  }
0x94: {  	_ =	strace s3  }
0x95: {  	s3 =	sld [smem:$0x3FFD];
	_ =	sdelay $0x3  }
0x96: {  	_ =	strace s3  }
0x97: {  	_ =	strace $0x8FFFFFFF  }
0x98: {  	s19 =	sld [smem:$0x3FDB];
	_ =	sdelay $0x1  }
0x99: {  	s4 =	simm.s32 $_scs_section_size  }
0x9a: {  	s5 =	simm.s32 $_size__tile_overlayer_lowered;
	s6 =	simm.s32 $_tile_overlayer_lowered  }
0x9b: {  	s22 =	simm.s32 $0x1BFF;
	s21 =	sshll.u32 s6, $0x1;
	s3 =	sadd.s32 s4, s19  }
0x9c: {  	s7 =	simm.s32 $0x0;
	s20 =	sshll.u32 s5, $0x1;
	s5 =	sadd.s32 s21, s3  }
0x9d: {  	[timem:s7], [sflag:s22] =	dma.local [hbm:s5], s20  }
0x9e: {  	_ =	swait.ge [sflag:s22], s20  }
0x9f: {  	s4 =	ssub.s32 $0x0, s20;
	[sflag:s22] =	ssyncset.done $0x0  }
0xa0: {  	[sflag:s22] =	ssyncadd.s32 s4;
	_ =	sdelay $0x1  }
0xa1: {  	s23 =	simm.s32 $0x1B8B  }
0xa2: {  	_ =	swait.ge [sflag:s23], $0x1  }
0xa3: {  	[sflag:s23] =	ssyncset.done $0x0  }
0xa4: {  	s25 =	simm.s32 $0x1B8E;
	s24 =	sld [smem:$0x3FFE];
	[sflag:s23] =	ssyncadd.s32 $0xFFFFFFFF  }
0xa5: {  	s26 =	simm.s32 $execute0_lowered;
	[smem:$0x3FD2] =	sst s25  }
0xa6: {  	s5 =	sshll.u32 s26, $0x1;
	_ =	strace $0x80000046;
	[dreg:$0x1] =	wrdreg $0xFFFFFFFF  }
0xa7: {  	s28 =	simm.s32 $_size_execute0_lowered;
	s3 =	sadd.s32 s3, s5;
	[dreg:$0x0] =	wrdreg $0x0  }
0xa8: {  	s5 =	sshll.u32 s28, $0x1;
	[dreg:$0x2] =	wrdreg s3  }
0xa9: {  	[dreg:$0x3] =	wrdreg s5  }
0xaa: {  	[dreg:$0x4] =	wrdreg $0xC0  }
0xab: {  	_ =	task [dreg:s7], $0x5FFFF  }
0xac: {  	[dreg:$0x1] =	wrdreg $0xFFFFFFFF  }
0xad: {  	[dreg:$0x0] =	wrdreg $0x60  }
0xae: {  	[dreg:$0x2] =	wrdreg s2  }
0xaf: {  	[dreg:$0x3] =	wrdreg s24  }
0xb0: {  	[dreg:$0x4] =	wrdreg $0x1DD200  }
0xb1: {  	[dreg:$0x5] =	wrdreg $0x9  }
0xb2: {  	_ =	task.clear_ibuf [dreg:s7], $0x6FFFF;
	_ =	strace $0x90000046  }
0xb3: {  	s29 =	simm.s32 $0x9;
	_ =	strace $0x80000048  }
0xb4: {  	_ =	swait.ge [sflag:s29], $0x1  }
0xb5: {  	[sflag:s29] =	ssyncadd.s32 $0xFFFFFFFF  }
0xb6: {  	_ =	strace $0x90000048  }
0xb7: {  	_ =	sfence  }
0xb8: {  	s30 =	sld [smem:$0x0];
	_ =	sdelay $0x2  }
0xb9: {  	s31 =	sshll.u32 s1, $0xD;
	s1 =	sshrl.u32 s1, $0x2  }
0xba: {  	s3 =	sand.u32 $0x4000, s31;
	s1 =	sadd.s32 s1, s30  }
0xbb: {  	s0 =	sor.u32 s3, s0;
	s1 =	sshll.u32 s1, $0x11  }
0xbc: {  	s0 =	sor.u32 s1, s0  }
0xbd: {  	s0 =	sadd.s32 $0x8F2B, s0  }
0xbe: {  	[sflag:s0] =	ssyncadd.remote.s32 $0x1  }
0xbf: {  	_ =	sfence.sel $0xFFFF  }
0xc0: {  	[dreg:$0x0] =	wrdreg $0xFFFFFFFF;
	(pc) =	sbr.abs _section_cstart, $3  }
0xc1: {  	[dreg:$0x1] =	wrdreg $0xFFFFFFFF  }
0xc2: {  	_ =	task.clear_ibuf [dreg:s7], $0x2FFFF;
	_ =	strace $0x9FFFFFFF  }
0xc3: {  	(tm) =	ssettm $0x7FFFFFFF  }
tec
execute0_lowered:
.L_overlay_start_1:
0x0: {  	(tag) =	ssettag $0x1  }
0x1: {  	s0 =	rddreg [dreg:$0x1]  }
0x2: {  	s2 =	rddreg [dreg:$0x2]  }
0x3: {  	s1 =	srdreg.scid;
	s3 =	stileid.u32  }
0x4: {  	s5 =	simm.s32 $0x0;
	s29 =	simm.s32 $0x6120;
	s31 =	simm.s32 $0x9520  }
0x5: {  	s14 =	simm.s32 $0xFD20;
	s16 =	simm.s32 $0x13120;
	s28 =	simm.s32 $0x4  }
0x6: {  	s30 =	simm.s32 $0x0;
	s1 =	sand.u32 $0x1, s1;
	s4 =	sshll.u32 s3, $0x1  }
0x7: {  	[smem:$0x7FF] =	sst s5;
	s18 =	sadd.s32 $0x41000, s0;
	s5 =	sadd.s32 $0x41200, s0  }
0x8: {  	s9 =	sadd.s32 $0x41204, s0;
	s10 =	sadd.s32 $0x41208, s0;
	s13 =	sadd.s32 $0x4120C, s0  }
0x9: {  	p0 =	sne.s32 s3, $0x0;
	s3 =	simm.s32 $0x20;
	s4 =	sor.u32 s1, s4  }
0xa: {  	_ =	strace $0x80000047;
	[dreg:$0x4] =	wrdreg s18;
	s11 =	smul.u32 $0x1A000, s4  }
0xb: {  	s1 =	ssub.s32 $0x2, s1;
	s18 =	simm.s32 $0x16520;
	s17 =	sshll.u32 s4, $0xD  }
0xc: {  	s6 =	sshrl.u32 s1, $0x1;
	s8 =	sadd.s32 s17, s0;
	s12 =	sadd.s32 s11, s9  }
0xd: {  	s1 =	ssub.s32 s1, s6;
	s20 =	sadd.s32 s11, s10;
	[dreg:$0x6] =	wrdreg s12  }
0xe: {  	s6 =	smul.u32 $0x6800, s4;
	s0 =	sadd.s32 s11, s13;
	[dreg:$0x7] =	wrdreg s20  }
0xf: {  	s4 =	simm.s32 $0x80;
	s21 =	sadd.s32 $0x1200, s8;
	[dreg:$0x8] =	wrdreg s0  }
0x10: {  	s7 =	sadd.s32 $0x1000, s8;
	s19 =	sadd.s32 s5, s11;
	[dreg:$0x9] =	wrdreg s21  }
0x11: {  	s26 =	smax.u32 s1, $0x1;
	s1 =	simm.s32 $0xC920;
	[dreg:$0x5] =	wrdreg s19  }
0x12: {  	s8 =	simm.s32 $0x3;
	s22 =	sadd.s32 $0x1A00, s19;
	[dreg:$0xe] =	wrdreg s26  }
0x13: {  	s11 =	simm.s32 $0x0;
	s23 =	sadd.s32 $0x1A04, s19;
	[dreg:$0xa] =	wrdreg s22  }
0x14: {  	s24 =	sadd.s32 $0x1A08, s19;
	s25 =	sadd.s32 $0x1A0C, s19;
	[dreg:$0xb] =	wrdreg s23  }
0x15: {  	s0 =	sshrl.u32 @!p0 s2, $0x3;
	s26 =	simm.s32 $0x2D20;
	[dreg:$0xc] =	wrdreg s24  }
0x16: {  	s12 =	simm.s32 $0x2690;
	s20 =	simm.s32 $0x19920;
	[dreg:$0xd] =	wrdreg s25  }
0x17: {  	s21 =	simm.s32 $0x2;
	[dreg:$0xf] =	wrdreg s0;
	s23 =	simm.s32 $0x5  }
0x18: {  	s24 =	simm.s32 $0x2000;
	s25 =	simm.s32 $0x1A0;
	s22 =	simm.s32 $0x1  }
.LBB2_1:
0x19: {  	[dreg:$0x10] =	wrdreg s11  }
0x1a: {  	s11 =	rddreg [dreg:$0x0]  }
0x1b: {  	s0 =	simm.s32 @!p0 $0x1C05;
	s15 =	rddreg [dreg:$0xf]  }
0x1c: {  	[spmem:s15], [sflag:s0] =	dma.local @!p0 [hbm:s11], $0x1F80  }
0x1d: {  	s0 =	simm.s32 @!p0 $0x5  }
0x1e: {  	_ =	swait.ge @!p0 [sflag:s0], $0x1F80  }
0x1f: {  	s19 =	simm.s32 $0x1CD20;
	[sflag:s0] =	ssyncset.done @!p0 $0x0  }
0x20: {  	s17 =	rddreg [dreg:$0x4];
	[sflag:s0] =	ssyncadd.s32 @!p0 $0xFFFFE080;
	s0 =	simm.s32 $0x0  }
0x21: {  	[tilespmem:s19], [sflag:$0x5] =	stream.linear.gather [hbm4b:s17+s0], $0x1000, $0x38;
	[tilespmem:$0x1ECE0] =	vst v63  }
0x22: {  	_ =	swait.ge [sflag:s23], $0x1000  }
0x23: {  	[sflag:s23] =	ssyncset.done $0x0  }
0x24: {  	[sflag:s23] =	ssyncadd.s32 $0xFFFFF000  }
0x25: {  	[bflag:$0x0] =	sbarrier.arrive $0xFFFF  }
0x26: {  	[tilespmem:s0], [sflag:$0x5] =	stream.linear.gather [hbm4b:s7+s0], $0x1000, $0x38;
	[tilespmem:$0x1ECE0] =	vst v63  }
0x27: {  	_ =	swait.ge [sflag:s23], $0x1000  }
0x28: {  	[sflag:s23] =	ssyncset.done $0x0  }
0x29: {  	s0 =	simm.s32 $0x0;
	[sflag:s23] =	ssyncadd.s32 $0xFFFFF000  }
.LBB2_2:
0x2a: {  	s11 =	sshra.s32 s0, $0x2  }
0x2b: {  	v0 =	vld [tilespmem:s11+$0x1CD20];
	_ =	sdelay $0x2  }
0x2c: {  	v1 =	vld [tilespmem:s11+$0x0];
	_ =	sdelay $0x4  }
0x2d: {  	[tilespmem:v0+s24+$0x0] =	vst.idx.msk $0xffff, v1  }
0x2e: {  	v0 =	vld [tilespmem:s11+$0x1CD30];
	_ =	sdelay $0x2  }
0x2f: {  	v1 =	vld [tilespmem:s11+$0x10];
	_ =	sdelay $0x4  }
0x30: {  	[tilespmem:v0+s24+$0x0] =	vst.idx.msk $0xffff, v1  }
0x31: {  	v0 =	vld [tilespmem:s11+$0x1CD40];
	_ =	sdelay $0x2  }
0x32: {  	v1 =	vld [tilespmem:s11+$0x20];
	_ =	sdelay $0x4  }
0x33: {  	[tilespmem:v0+s24+$0x0] =	vst.idx.msk $0xffff, v1  }
0x34: {  	v0 =	vld [tilespmem:s11+$0x1CD50];
	_ =	sdelay $0x2  }
0x35: {  	p1 =	sne.s32 s0, $0x3E00;
	v1 =	vld [tilespmem:s11+$0x30]  }
.Ltmp0:
0x36: {  	_ = 	snop;
	(pc) =	sbr.rel @p1 .LBB2_2-.Ltmp0, $2  }
0x37: {  	_ =	sdelay $0x2  }
0x38: {  	s0 =	sadd.s32 $0x200, s0;
	[tilespmem:v0+s24+$0x0] =	vst.idx.msk $0xffff, v1  }
0x39: {  	[tilespmem:s26], [sflag:$0x1] =	stream.indirect.gather [spmem:s2], $0x20, s24, s25, $0xb8;
	[tilespmem:$0x1ECE0] =	vst v63  }
0x3a: {  	s0 =	simm.s32 $0x21A0  }
0x3b: {  	[tilespmem:s29], [sflag:$0x1] =	stream.indirect.gather [spmem:s2], $0x20, s0, s25, $0xb8;
	[tilespmem:$0x1ECE0] =	vst v63  }
0x3c: {  	s17 =	simm.s32 $0x2340  }
0x3d: {  	[tilespmem:s31], [sflag:$0x1] =	stream.indirect.gather [spmem:s2], $0x20, s17, s25, $0xb8;
	[tilespmem:$0x1ECE0] =	vst v63  }
0x3e: {  	s19 =	simm.s32 $0x24E0  }
0x3f: {  	[tilespmem:s1], [sflag:$0x1] =	stream.indirect.gather [spmem:s2], $0x20, s19, s25, $0xb8;
	[tilespmem:$0x1ECE0] =	vst v63  }
0x40: {  	_ =	swait.ge [sflag:s22], $0x3400  }
0x41: {  	[sflag:s22] =	ssyncset.done $0x0  }
0x42: {  	[sflag:s22] =	ssyncadd.s32 $0xFFFFCC00  }
0x43: {  	_ =	swait.ge [sflag:s22], $0x3400  }
0x44: {  	[sflag:s22] =	ssyncset.done $0x0  }
0x45: {  	[sflag:s22] =	ssyncadd.s32 $0xFFFFCC00  }
0x46: {  	_ =	swait.ge [sflag:s22], $0x3400  }
0x47: {  	[sflag:s22] =	ssyncset.done $0x0  }
0x48: {  	[sflag:s22] =	ssyncadd.s32 $0xFFFFCC00  }
0x49: {  	_ =	swait.ge [sflag:s22], $0x3400  }
0x4a: {  	[sflag:s22] =	ssyncset.done $0x0  }
0x4b: {  	s11 =	rddreg [dreg:$0x5];
	[sflag:s22] =	ssyncadd.s32 $0xFFFFCC00  }
0x4c: {  	[hbm4b:s11+s3] =	stream.strided.scatter [tilespmem:s26], [sflag:$0x3], $0x3400, s4, s3, $0x38;
	[tilespmem:$0x1ECE0] =	vst v63  }
0x4d: {  	s15 =	rddreg [dreg:$0x6]  }
0x4e: {  	[hbm4b:s15+s3] =	stream.strided.scatter [tilespmem:s29], [sflag:$0x3], $0x3400, s4, s3, $0x38;
	[tilespmem:$0x1ECE0] =	vst v63  }
0x4f: {  	s17 =	rddreg [dreg:$0x7]  }
0x50: {  	[hbm4b:s17+s3] =	stream.strided.scatter [tilespmem:s31], [sflag:$0x3], $0x3400, s4, s3, $0x38;
	[tilespmem:$0x1ECE0] =	vst v63  }
0x51: {  	s19 =	rddreg [dreg:$0x8]  }
0x52: {  	[hbm4b:s19+s3] =	stream.strided.scatter [tilespmem:s1], [sflag:$0x3], $0x3400, s4, s3, $0x38;
	[tilespmem:$0x1ECE0] =	vst v63  }
0x53: {  	s0 =	simm.s32 $0x0;
	s11 =	rddreg [dreg:$0x9];
	s15 =	simm.s32 $0x1000  }
0x54: {  	[tilespmem:s15], [sflag:$0x5] =	stream.linear.gather [hbm4b:s11+s0], $0x1000, $0x38;
	[tilespmem:$0x1ECE0] =	vst v63  }
0x55: {  	_ =	swait.ge [sflag:s23], $0x1000  }
0x56: {  	[sflag:s23] =	ssyncset.done $0x0  }
0x57: {  	[sflag:s23] =	ssyncadd.s32 $0xFFFFF000  }
.LBB2_4:
0x58: {  	s11 =	sshra.s32 s0, $0x2  }
0x59: {  	v0 =	vld [tilespmem:s11+$0x1CD20];
	_ =	sdelay $0x2  }
0x5a: {  	v1 =	vld [tilespmem:s11+$0x1000];
	_ =	sdelay $0x4  }
0x5b: {  	[tilespmem:v0+s12+$0x0] =	vst.idx.msk $0xffff, v1  }
0x5c: {  	v0 =	vld [tilespmem:s11+$0x1CD30];
	_ =	sdelay $0x2  }
0x5d: {  	v1 =	vld [tilespmem:s11+$0x1010];
	_ =	sdelay $0x4  }
0x5e: {  	[tilespmem:v0+s12+$0x0] =	vst.idx.msk $0xffff, v1  }
0x5f: {  	v0 =	vld [tilespmem:s11+$0x1CD40];
	_ =	sdelay $0x2  }
0x60: {  	v1 =	vld [tilespmem:s11+$0x1020];
	_ =	sdelay $0x4  }
0x61: {  	[tilespmem:v0+s12+$0x0] =	vst.idx.msk $0xffff, v1  }
0x62: {  	v0 =	vld [tilespmem:s11+$0x1CD50];
	_ =	sdelay $0x2  }
0x63: {  	p1 =	sne.s32 s0, $0x3E00;
	v1 =	vld [tilespmem:s11+$0x1030]  }
.Ltmp1:
0x64: {  	_ = 	snop;
	(pc) =	sbr.rel @p1 .LBB2_4-.Ltmp1, $2  }
0x65: {  	_ =	sdelay $0x2  }
0x66: {  	s0 =	sadd.s32 $0x200, s0;
	[tilespmem:v0+s12+$0x0] =	vst.idx.msk $0xffff, v1  }
0x67: {  	[tilespmem:s14], [sflag:$0x2] =	stream.indirect.gather [spmem:s2], $0x20, s12, s25, $0xb8;
	[tilespmem:$0x1ECE0] =	vst v63  }
0x68: {  	s0 =	simm.s32 $0x2830  }
0x69: {  	[tilespmem:s16], [sflag:$0x2] =	stream.indirect.gather [spmem:s2], $0x20, s0, s25, $0xb8;
	[tilespmem:$0x1ECE0] =	vst v63  }
0x6a: {  	s17 =	simm.s32 $0x29D0  }
0x6b: {  	[tilespmem:s18], [sflag:$0x2] =	stream.indirect.gather [spmem:s2], $0x20, s17, s25, $0xb8;
	[tilespmem:$0x1ECE0] =	vst v63  }
0x6c: {  	s19 =	simm.s32 $0x2B70  }
0x6d: {  	[tilespmem:s20], [sflag:$0x2] =	stream.indirect.gather [spmem:s2], $0x20, s19, s25, $0xb8;
	[tilespmem:$0x1ECE0] =	vst v63  }
0x6e: {  	_ =	swait.ge [sflag:s21], $0x3400  }
0x6f: {  	[sflag:s21] =	ssyncset.done $0x0  }
0x70: {  	[sflag:s21] =	ssyncadd.s32 $0xFFFFCC00  }
0x71: {  	_ =	swait.ge [sflag:s21], $0x3400  }
0x72: {  	[sflag:s21] =	ssyncset.done $0x0  }
0x73: {  	[sflag:s21] =	ssyncadd.s32 $0xFFFFCC00  }
0x74: {  	_ =	swait.ge [sflag:s21], $0x3400  }
0x75: {  	[sflag:s21] =	ssyncset.done $0x0  }
0x76: {  	[sflag:s21] =	ssyncadd.s32 $0xFFFFCC00  }
0x77: {  	_ =	swait.ge [sflag:s21], $0x3400  }
0x78: {  	[sflag:s21] =	ssyncset.done $0x0  }
0x79: {  	s11 =	rddreg [dreg:$0xa];
	[sflag:s21] =	ssyncadd.s32 $0xFFFFCC00  }
0x7a: {  	[hbm4b:s11+s3] =	stream.strided.scatter [tilespmem:s14], [sflag:$0x4], $0x3400, s4, s3, $0x38;
	[tilespmem:$0x1ECE0] =	vst v63  }
0x7b: {  	s15 =	rddreg [dreg:$0xb]  }
0x7c: {  	[hbm4b:s15+s3] =	stream.strided.scatter [tilespmem:s16], [sflag:$0x4], $0x3400, s4, s3, $0x38;
	[tilespmem:$0x1ECE0] =	vst v63  }
0x7d: {  	s17 =	rddreg [dreg:$0xc]  }
0x7e: {  	[hbm4b:s17+s3] =	stream.strided.scatter [tilespmem:s18], [sflag:$0x4], $0x3400, s4, s3, $0x38;
	[tilespmem:$0x1ECE0] =	vst v63  }
0x7f: {  	s0 =	simm.s32 $0x0;
	s19 =	rddreg [dreg:$0xd]  }
0x80: {  	[hbm4b:s19+s3] =	stream.strided.scatter [tilespmem:s20], [sflag:$0x4], $0x3400, s4, s3, $0x38;
	[tilespmem:$0x1ECE0] =	vst v63  }
.LBB2_6:
0x81: {  	_ =	swait.ge [sflag:s8], $0x3400  }
0x82: {  	[sflag:s8] =	ssyncset.done $0x0  }
0x83: {  	[sflag:s8] =	ssyncadd.s32 $0xFFFFCC00  }
0x84: {  	_ =	swait.ge [sflag:s8], $0x3400  }
0x85: {  	[sflag:s8] =	ssyncset.done $0x0  }
0x86: {  	[sflag:s8] =	ssyncadd.s32 $0xFFFFCC00  }
0x87: {  	_ =	swait.ge [sflag:s8], $0x3400  }
0x88: {  	[sflag:s8] =	ssyncset.done $0x0  }
0x89: {  	s11 =	sshll.u32 s0, $0x1;
	[sflag:s8] =	ssyncadd.s32 $0xFFFFCC00  }
0x8a: {  	s15 =	sadd.s32 $0x2, s11;
	_ =	swait.ge [sflag:s8], $0x3400  }
0x8b: {  	s17 =	sshll.u32 s15, $0x9;
	[sflag:s8] =	ssyncset.done $0x0  }
0x8c: {  	s17 =	sadd.s32 s17, s7;
	[sflag:s8] =	ssyncadd.s32 $0xFFFFCC00  }
0x8d: {  	[tilespmem:s30], [sflag:$0x5] =	stream.linear.gather [hbm4b:s17+s30], $0x1000, $0x38;
	[tilespmem:$0x1ECE0] =	vst v63  }
0x8e: {  	_ =	swait.ge [sflag:s23], $0x1000  }
0x8f: {  	[sflag:s23] =	ssyncset.done $0x0  }
0x90: {  	s17 =	simm.s32 $0x0;
	[sflag:s23] =	ssyncadd.s32 $0xFFFFF000  }
.LBB2_7:
0x91: {  	s19 =	sshra.s32 s17, $0x2  }
0x92: {  	v0 =	vld [tilespmem:s19+$0x1CD20];
	_ =	sdelay $0x2  }
0x93: {  	v1 =	vld [tilespmem:s19+$0x0];
	_ =	sdelay $0x4  }
0x94: {  	[tilespmem:v0+s24+$0x0] =	vst.idx.msk $0xffff, v1  }
0x95: {  	v0 =	vld [tilespmem:s19+$0x1CD30];
	_ =	sdelay $0x2  }
0x96: {  	v1 =	vld [tilespmem:s19+$0x10];
	_ =	sdelay $0x4  }
0x97: {  	[tilespmem:v0+s24+$0x0] =	vst.idx.msk $0xffff, v1  }
0x98: {  	v0 =	vld [tilespmem:s19+$0x1CD40];
	_ =	sdelay $0x2  }
0x99: {  	v1 =	vld [tilespmem:s19+$0x20];
	_ =	sdelay $0x4  }
0x9a: {  	[tilespmem:v0+s24+$0x0] =	vst.idx.msk $0xffff, v1  }
0x9b: {  	v0 =	vld [tilespmem:s19+$0x1CD50];
	_ =	sdelay $0x2  }
0x9c: {  	p1 =	sne.s32 s17, $0x3E00;
	v1 =	vld [tilespmem:s19+$0x30]  }
.Ltmp2:
0x9d: {  	_ = 	snop;
	(pc) =	sbr.rel @p1 .LBB2_7-.Ltmp2, $2  }
0x9e: {  	_ =	sdelay $0x2  }
0x9f: {  	s17 =	sadd.s32 $0x200, s17;
	[tilespmem:v0+s24+$0x0] =	vst.idx.msk $0xffff, v1  }
0xa0: {  	[tilespmem:s26], [sflag:$0x1] =	stream.indirect.gather [spmem:s2], $0x20, s24, s25, $0xb8;
	[tilespmem:$0x1ECE0] =	vst v63  }
0xa1: {  	s17 =	simm.s32 $0x21A0  }
0xa2: {  	[tilespmem:s29], [sflag:$0x1] =	stream.indirect.gather [spmem:s2], $0x20, s17, s25, $0xb8;
	[tilespmem:$0x1ECE0] =	vst v63  }
0xa3: {  	s19 =	simm.s32 $0x2340  }
0xa4: {  	[tilespmem:s31], [sflag:$0x1] =	stream.indirect.gather [spmem:s2], $0x20, s19, s25, $0xb8;
	[tilespmem:$0x1ECE0] =	vst v63  }
0xa5: {  	s19 =	simm.s32 $0x24E0  }
0xa6: {  	[tilespmem:s1], [sflag:$0x1] =	stream.indirect.gather [spmem:s2], $0x20, s19, s25, $0xb8;
	[tilespmem:$0x1ECE0] =	vst v63  }
0xa7: {  	_ =	swait.ge [sflag:s22], $0x3400  }
0xa8: {  	[sflag:s22] =	ssyncset.done $0x0  }
0xa9: {  	[sflag:s22] =	ssyncadd.s32 $0xFFFFCC00  }
0xaa: {  	_ =	swait.ge [sflag:s22], $0x3400  }
0xab: {  	[sflag:s22] =	ssyncset.done $0x0  }
0xac: {  	[sflag:s22] =	ssyncadd.s32 $0xFFFFCC00  }
0xad: {  	_ =	swait.ge [sflag:s22], $0x3400  }
0xae: {  	s15 =	smul.u32 $0x680, s15;
	[sflag:s22] =	ssyncset.done $0x0  }
0xaf: {  	[sflag:s22] =	ssyncadd.s32 $0xFFFFCC00  }
0xb0: {  	s15 =	sadd.s32 s6, s15;
	_ =	swait.ge [sflag:s22], $0x3400  }
0xb1: {  	s15 =	sshll.u32 s15, $0x2;
	[sflag:s22] =	ssyncset.done $0x0  }
0xb2: {  	s19 =	sadd.s32 s5, s15;
	[sflag:s22] =	ssyncadd.s32 $0xFFFFCC00  }
0xb3: {  	[hbm4b:s19+s3] =	stream.strided.scatter [tilespmem:s26], [sflag:$0x3], $0x3400, s4, s3, $0x38;
	[tilespmem:$0x1ECE0] =	vst v63  }
0xb4: {  	s19 =	sadd.s32 s15, s9  }
0xb5: {  	[hbm4b:s19+s3] =	stream.strided.scatter [tilespmem:s29], [sflag:$0x3], $0x3400, s4, s3, $0x38;
	[tilespmem:$0x1ECE0] =	vst v63  }
0xb6: {  	s19 =	sadd.s32 s15, s10  }
0xb7: {  	[hbm4b:s19+s3] =	stream.strided.scatter [tilespmem:s31], [sflag:$0x3], $0x3400, s4, s3, $0x38;
	[tilespmem:$0x1ECE0] =	vst v63  }
0xb8: {  	s15 =	sadd.s32 s15, s13  }
0xb9: {  	[hbm4b:s15+s3] =	stream.strided.scatter [tilespmem:s1], [sflag:$0x3], $0x3400, s4, s3, $0x38;
	[tilespmem:$0x1ECE0] =	vst v63  }
0xba: {  	_ =	swait.ge [sflag:s28], $0x3400  }
0xbb: {  	[sflag:s28] =	ssyncset.done $0x0  }
0xbc: {  	[sflag:s28] =	ssyncadd.s32 $0xFFFFCC00  }
0xbd: {  	_ =	swait.ge [sflag:s28], $0x3400  }
0xbe: {  	[sflag:s28] =	ssyncset.done $0x0  }
0xbf: {  	[sflag:s28] =	ssyncadd.s32 $0xFFFFCC00  }
0xc0: {  	_ =	swait.ge [sflag:s28], $0x3400  }
0xc1: {  	[sflag:s28] =	ssyncset.done $0x0  }
0xc2: {  	s11 =	sadd.s32 $0x3, s11;
	[sflag:s28] =	ssyncadd.s32 $0xFFFFCC00  }
0xc3: {  	s19 =	sshll.u32 s11, $0x9;
	_ =	swait.ge [sflag:s28], $0x3400  }
0xc4: {  	s17 =	sadd.s32 s19, s7;
	[sflag:s28] =	ssyncset.done $0x0  }
0xc5: {  	s19 =	simm.s32 $0x1000;
	s15 =	simm.s32 $0x0;
	[sflag:s28] =	ssyncadd.s32 $0xFFFFCC00  }
0xc6: {  	[tilespmem:s19], [sflag:$0x5] =	stream.linear.gather [hbm4b:s17+s15], $0x1000, $0x38;
	[tilespmem:$0x1ECE0] =	vst v63  }
0xc7: {  	_ =	swait.ge [sflag:s23], $0x1000  }
0xc8: {  	[sflag:s23] =	ssyncset.done $0x0  }
0xc9: {  	[sflag:s23] =	ssyncadd.s32 $0xFFFFF000  }
.LBB2_9:
0xca: {  	s17 =	sshra.s32 s15, $0x2  }
0xcb: {  	v0 =	vld [tilespmem:s17+$0x1CD20];
	_ =	sdelay $0x2  }
0xcc: {  	v1 =	vld [tilespmem:s17+$0x1000];
	_ =	sdelay $0x4  }
0xcd: {  	[tilespmem:v0+s12+$0x0] =	vst.idx.msk $0xffff, v1  }
0xce: {  	v0 =	vld [tilespmem:s17+$0x1CD30];
	_ =	sdelay $0x2  }
0xcf: {  	v1 =	vld [tilespmem:s17+$0x1010];
	_ =	sdelay $0x4  }
0xd0: {  	[tilespmem:v0+s12+$0x0] =	vst.idx.msk $0xffff, v1  }
0xd1: {  	v0 =	vld [tilespmem:s17+$0x1CD40];
	_ =	sdelay $0x2  }
0xd2: {  	v1 =	vld [tilespmem:s17+$0x1020];
	_ =	sdelay $0x4  }
0xd3: {  	[tilespmem:v0+s12+$0x0] =	vst.idx.msk $0xffff, v1  }
0xd4: {  	v0 =	vld [tilespmem:s17+$0x1CD50];
	_ =	sdelay $0x2  }
0xd5: {  	p1 =	sne.s32 s15, $0x3E00;
	v1 =	vld [tilespmem:s17+$0x1030]  }
.Ltmp3:
0xd6: {  	_ = 	snop;
	(pc) =	sbr.rel @p1 .LBB2_9-.Ltmp3, $2  }
0xd7: {  	_ =	sdelay $0x2  }
0xd8: {  	s15 =	sadd.s32 $0x200, s15;
	[tilespmem:v0+s12+$0x0] =	vst.idx.msk $0xffff, v1  }
0xd9: {  	[tilespmem:s14], [sflag:$0x2] =	stream.indirect.gather [spmem:s2], $0x20, s12, s25, $0xb8;
	[tilespmem:$0x1ECE0] =	vst v63  }
0xda: {  	s15 =	simm.s32 $0x2830  }
0xdb: {  	[tilespmem:s16], [sflag:$0x2] =	stream.indirect.gather [spmem:s2], $0x20, s15, s25, $0xb8;
	[tilespmem:$0x1ECE0] =	vst v63  }
0xdc: {  	s19 =	simm.s32 $0x29D0  }
0xdd: {  	[tilespmem:s18], [sflag:$0x2] =	stream.indirect.gather [spmem:s2], $0x20, s19, s25, $0xb8;
	[tilespmem:$0x1ECE0] =	vst v63  }
0xde: {  	s17 =	simm.s32 $0x2B70  }
0xdf: {  	[tilespmem:s20], [sflag:$0x2] =	stream.indirect.gather [spmem:s2], $0x20, s17, s25, $0xb8;
	[tilespmem:$0x1ECE0] =	vst v63  }
0xe0: {  	_ =	swait.ge [sflag:s21], $0x3400  }
0xe1: {  	[sflag:s21] =	ssyncset.done $0x0  }
0xe2: {  	[sflag:s21] =	ssyncadd.s32 $0xFFFFCC00  }
0xe3: {  	_ =	swait.ge [sflag:s21], $0x3400  }
0xe4: {  	[sflag:s21] =	ssyncset.done $0x0  }
0xe5: {  	[sflag:s21] =	ssyncadd.s32 $0xFFFFCC00  }
0xe6: {  	_ =	swait.ge [sflag:s21], $0x3400  }
0xe7: {  	s11 =	smul.u32 $0x680, s11;
	[sflag:s21] =	ssyncset.done $0x0  }
0xe8: {  	[sflag:s21] =	ssyncadd.s32 $0xFFFFCC00  }
0xe9: {  	s11 =	sadd.s32 s6, s11;
	_ =	swait.ge [sflag:s21], $0x3400  }
0xea: {  	s11 =	sshll.u32 s11, $0x2;
	[sflag:s21] =	ssyncset.done $0x0  }
0xeb: {  	s0 =	sadd.s32 $0x1, s0;
	s19 =	sadd.s32 s5, s11;
	[sflag:s21] =	ssyncadd.s32 $0xFFFFCC00  }
0xec: {  	[hbm4b:s19+s3] =	stream.strided.scatter [tilespmem:s14], [sflag:$0x4], $0x3400, s4, s3, $0x38;
	[tilespmem:$0x1ECE0] =	vst v63  }
0xed: {  	p1 =	sne.s32 s0, $0x7;
	s17 =	sadd.s32 s11, s9  }
0xee: {  	[hbm4b:s17+s3] =	stream.strided.scatter [tilespmem:s16], [sflag:$0x4], $0x3400, s4, s3, $0x38;
	[tilespmem:$0x1ECE0] =	vst v63  }
.Ltmp4:
0xef: {  	_ = 	snop;
	(pc) =	sbr.rel @p1 .LBB2_6-.Ltmp4, $4  }
0xf0: {  	s19 =	sadd.s32 s11, s10  }
0xf1: {  	[hbm4b:s19+s3] =	stream.strided.scatter [tilespmem:s18], [sflag:$0x4], $0x3400, s4, s3, $0x38;
	[tilespmem:$0x1ECE0] =	vst v63  }
0xf2: {  	s11 =	sadd.s32 s11, s13  }
0xf3: {  	[hbm4b:s11+s3] =	stream.strided.scatter [tilespmem:s20], [sflag:$0x4], $0x3400, s4, s3, $0x38;
	[tilespmem:$0x1ECE0] =	vst v63  }
0xf4: {  	_ =	swait.ge [sflag:s8], $0x3400  }
0xf5: {  	[sflag:s8] =	ssyncset.done $0x0  }
0xf6: {  	[sflag:s8] =	ssyncadd.s32 $0xFFFFCC00  }
0xf7: {  	_ =	swait.ge [sflag:s8], $0x3400  }
0xf8: {  	[sflag:s8] =	ssyncset.done $0x0  }
0xf9: {  	[sflag:s8] =	ssyncadd.s32 $0xFFFFCC00  }
0xfa: {  	_ =	swait.ge [sflag:s8], $0x3400  }
0xfb: {  	[sflag:s8] =	ssyncset.done $0x0  }
0xfc: {  	[sflag:s8] =	ssyncadd.s32 $0xFFFFCC00  }
0xfd: {  	_ =	swait.ge [sflag:s8], $0x3400  }
0xfe: {  	[sflag:s8] =	ssyncset.done $0x0  }
0xff: {  	[sflag:s8] =	ssyncadd.s32 $0xFFFFCC00  }
0x100: {  	_ =	swait.ge [sflag:s28], $0x3400  }
0x101: {  	[sflag:s28] =	ssyncset.done $0x0  }
0x102: {  	[sflag:s28] =	ssyncadd.s32 $0xFFFFCC00  }
0x103: {  	_ =	swait.ge [sflag:s28], $0x3400  }
0x104: {  	[sflag:s28] =	ssyncset.done $0x0  }
0x105: {  	[sflag:s28] =	ssyncadd.s32 $0xFFFFCC00  }
0x106: {  	_ =	swait.ge [sflag:s28], $0x3400  }
0x107: {  	[sflag:s28] =	ssyncset.done $0x0  }
0x108: {  	[sflag:s28] =	ssyncadd.s32 $0xFFFFCC00  }
0x109: {  	_ =	swait.ge [sflag:s28], $0x3400  }
0x10a: {  	s11 =	rddreg [dreg:$0x10]  }
0x10b: {  	s0 =	rddreg [dreg:$0xe];
	s11 =	sadd.s32 $0x1, s11  }
0x10c: {  	p1 =	sne.s32 s11, s0  }
.Ltmp5:
0x10d: {  	_ = 	snop;
	(pc) =	sbr.rel @p1 .LBB2_1-.Ltmp5, $3  }
0x10e: {  	_ =	sdelay $0x1  }
0x10f: {  	[sflag:s28] =	ssyncset.done $0x0  }
0x110: {  	[sflag:s28] =	ssyncadd.s32 $0xFFFFCC00  }
0x111: {  	_ =	sfence.sel $0x180000  }
0x112: {  	[bflag:$0x0] =	sbarrier.arrive $0xFFFF  }
0x113: {  	_ =	strace $0x90000047  }
0x114: {  	[bflag:$0x2] =	sbarrier.arrive $0xFFFF  }
0x115: {  	s0 =	rddreg [dreg:$0x3]  }
0x116: {  	s0 =	sadd.s32 @!p0 $0x100000, s0  }
0x117: {  	[sflag:s0] =	ssyncadd.tile.s32 @!p0 $0x1;
	_ =	shalt  }
.Lfunc_end2:
_tile_overlayer_lowered:
.L_overlay_start_2:
0x118: {  	(tag) =	ssettag $0x2  }
0x119: {  	s0 =	rddreg [dreg:$0x0];
	s2 =	stileid.u32  }
0x11a: {  	s1 =	rddreg [dreg:$0x1];
	p0 =	sne.s32 s2, $0x0  }
0x11b: {  	s3 =	rddreg [dreg:$0x2];
	[bflag:$0x3] =	sbarrier.arrive $0xFFFF;
	s2 =	simm.s32 @!p0 $0x1C05  }
0x11c: {  	[timem:s3], [sflag:s2] =	dma.local @!p0 [hbm:s0], s1  }
0x11d: {  	s0 =	simm.s32 @!p0 $0x5  }
0x11e: {  	_ =	swait.ge @!p0 [sflag:s0], s1  }
0x11f: {  	s1 =	ssub.s32 @!p0 $0x0, s1;
	[sflag:s0] =	ssyncset.done @!p0 $0x0  }
0x120: {  	[sflag:s0] =	ssyncadd.s32 @!p0 s1  }
0x121: {  	[bflag:$0x3] =	sbarrier.arrive $0xFFFF  }
0x122: {  	_ =	shalt  }

</sc_bundles>
